<compile_context>
chip_gen: v7x
topology: tpu7x:2x2x1
jax: 0.10.2.dev20260603
libtpu: 0.0.44.dev20260713+nightly
codegen_flags: <defaults>
</compile_context>

<pallas_src>
import functools

import jax
import jax.numpy as jnp
from jax import lax
from jax.experimental import pallas as pl
from jax.experimental.pallas import tpu as pltpu
from jax.experimental.pallas import tpu_sc as plsc

N_VOCAB = 123
VPAD = 128
B, L = 4096, 20
NTOK = B * L
NC, NS = 2, 16
NW = NC * NS
CHUNK = 128
TOK_PER_W = NTOK // NW
NCHUNK = TOK_PER_W // CHUNK


def _table_body(emb_ref, w1_ref, b1_ref, w2_ref, b2_ref, out_ref):
    x = jnp.maximum(emb_ref[...], 0.0)
    h = jnp.dot(x, w1_ref[...], preferred_element_type=jnp.float32)
    h = jnp.maximum(h + b1_ref[...], 0.0)
    t = jnp.dot(h, w2_ref[...], preferred_element_type=jnp.float32)
    out_ref[...] = t + b2_ref[...]


def _compute_table(embed, W1, b1, W2, b2):
    w2_pad = jnp.pad(W2, ((0, 0), (0, VPAD - N_VOCAB)))
    b2_pad = jnp.pad(b2, (0, VPAD - N_VOCAB)).reshape(1, VPAD)
    return pl.pallas_call(
        _table_body,
        out_shape=jax.ShapeDtypeStruct((N_VOCAB, VPAD), jnp.float32),
    )(embed, W1, b1.reshape(1, -1), w2_pad, b2_pad)


def _gather_body(table_hbm, idx_hbm, out_hbm, idx_v, rows, gsems, wsems):
    c = lax.axis_index("c")
    s = lax.axis_index("s")
    wid = s * NC + c
    base = wid * TOK_PER_W

    pltpu.sync_copy(idx_hbm.at[wid], idx_v)
    grabs = [None, None]
    writes = [None, None]
    grabs[0] = pltpu.async_copy(table_hbm.at[idx_v.at[0]], rows[0], gsems[0])
    for j in range(NCHUNK):
        b = j % 2
        if j + 1 < NCHUNK:
            if writes[b ^ 1] is not None:
                writes[b ^ 1].wait()
            grabs[b ^ 1] = pltpu.async_copy(
                table_hbm.at[idx_v.at[j + 1]], rows[b ^ 1], gsems[b ^ 1]
            )
        grabs[b].wait()
        writes[b] = pltpu.async_copy(
            rows[b], out_hbm.at[pl.ds(base + j * CHUNK, CHUNK)], wsems[b]
        )
    writes[0].wait()
    writes[1].wait()


_gather = functools.partial(
    pl.kernel,
    out_type=jax.ShapeDtypeStruct((NTOK, VPAD), jnp.float32),
    mesh=plsc.VectorSubcoreMesh(
        core_axis_name="c", subcore_axis_name="s", num_cores=NC, num_subcores=NS
    ),
    scratch_types=[
        pltpu.VMEM((NCHUNK, CHUNK), jnp.int32),
        [pltpu.VMEM((CHUNK, VPAD), jnp.float32) for _ in range(2)],
        [pltpu.SemaphoreType.DMA for _ in range(2)],
        [pltpu.SemaphoreType.DMA for _ in range(2)],
    ],
)(_gather_body)


def kernel(inputs, embed, W1, b1, W2, b2):
    table = _compute_table(embed, W1, b1, W2, b2)
    idx = inputs.reshape(-1).astype(jnp.int32).reshape(NW, NCHUNK, CHUNK)
    out = _gather(table, idx)
    return out[:, :N_VOCAB].reshape(B, L, N_VOCAB)

# --- scband reference (transcript-rebuilt; emitter-appended) ---
"""Pipeline reference for scband-model-13271448944645 (READ-ONLY COPY).

The authoritative reference and input builder live on the scoring server;
editing this copy changes nothing except your own understanding.
"""

import jax, jax.numpy as jnp
import numpy as np

N_VOCAB = 123
EMBED_DIM = 1000
HIDDEN = 1000
B, L = 4096, 20


def setup_inputs(seed: int = 0) -> dict:
    key = jax.random.key(seed)
    k_idx, k_emb, k_w1, k_b1, k_w2, k_b2 = jax.random.split(key, 6)
    inputs = jax.random.randint(k_idx, (B, L), 0, N_VOCAB, dtype=jnp.int64) if jax.config.jax_enable_x64 else jax.random.randint(k_idx, (B, L), 0, N_VOCAB, dtype=jnp.int32)
    embed = jax.random.normal(k_emb, (N_VOCAB, EMBED_DIM), dtype=jnp.float32) * 0.02
    W1 = jax.random.normal(k_w1, (EMBED_DIM, HIDDEN), dtype=jnp.float32) * 0.02
    b1 = jnp.zeros((HIDDEN,), dtype=jnp.float32)
    W2 = jax.random.normal(k_w2, (HIDDEN, N_VOCAB), dtype=jnp.float32) * 0.02
    b2 = jnp.zeros((N_VOCAB,), dtype=jnp.float32)
    return {"inputs": inputs, "embed": embed, "W1": W1, "b1": b1, "W2": W2, "b2": b2}


def reference(inputs, embed, W1, b1, W2, b2):
    # nn.Embed(N_VOCAB, 1000)
    x = jnp.take(embed, inputs, axis=0)          # [B, L, 1000]
    x = jax.nn.relu(x)
    # nn.Dense(1000)
    x = jnp.dot(x, W1) + b1                      # [B, L, 1000]
    x = jax.nn.relu(x)
    # nn.Dense(N_VOCAB)
    x = jnp.dot(x, W2) + b2                      # [B, L, 123]
    return x

if __name__ == "__main__":
    import jax
    _d = setup_inputs()
    print(jax.jit(kernel)(*tuple(_d.values())))

</pallas_src>

<mosaic_0001>
#map = affine_map<(d0, d1) -> (0, 0)>
#map1 = affine_map<(d0, d1) -> (0, 0, 0)>
module attributes {stable_mosaic.version = 14 : i64} {
  func.func @_gather_body(%arg0: i32, %arg1: i32, %arg2: memref<123x128xf32, #tpu.memory_space<hbm>>, %arg3: memref<32x20x128xi32, #tpu.memory_space<hbm>>, %arg4: memref<81920x128xf32, #tpu.memory_space<hbm>>, %arg5: memref<20x128xi32, #tpu.memory_space<vmem>>, %arg6: memref<128x128xf32, #tpu.memory_space<vmem>>, %arg7: memref<128x128xf32, #tpu.memory_space<vmem>>, %arg8: memref<!tpu.dma_semaphore, #tpu.memory_space<semaphore_mem>>, %arg9: memref<!tpu.dma_semaphore, #tpu.memory_space<semaphore_mem>>, %arg10: memref<!tpu.dma_semaphore, #tpu.memory_space<semaphore_mem>>, %arg11: memref<!tpu.dma_semaphore, #tpu.memory_space<semaphore_mem>>) attributes {dimension_semantics = [#tpu.dimension_semantics<core_parallel>, #tpu.dimension_semantics<subcore_parallel>], iteration_bounds = array<i64: 2, 16>, scalar_prefetch = 0 : i64, scratch_operands = 7 : i64, tpu.core_type = #tpu.core_type<sc_vector_subcore>, window_params = [{transform_indices = #map}, {transform_indices = #map1}, {transform_indices = #map}]} {
    %mul3A = arith.constant 2 : i32
    %mul3A_0 = arith.muli %arg1, %mul3A : i32
    %add3A = arith.addi %mul3A_0, %arg0 : i32
    %mul3A_1 = arith.constant 2560 : i32
    %mul3A_2 = arith.muli %add3A, %mul3A_1 : i32
    "tpu.region"() ({
      %run_scoped3A = tpu.sem_alloc : memref<!tpu.dma_semaphore, #tpu.memory_space<semaphore_mem>>
      %dma_start3A_481 = arith.constant 0 : i32
      %dma_start3A_482 = arith.constant 0 : i32
      %dma_start3A_483 = tpu.memref_slice %arg3[%add3A, %dma_start3A_481, %dma_start3A_482] : memref<32x20x128xi32, #tpu.memory_space<hbm>> -> memref<1x20x128xi32, #tpu.memory_space<hbm>>
      %dma_start3A_484 = tpu.memref_squeeze %dma_start3A_483 : memref<1x20x128xi32, #tpu.memory_space<hbm>> -> memref<20x128xi32, #tpu.memory_space<hbm>>
      %dma_start3A_485 = arith.constant 0 : i32
      %dma_start3A_486 = arith.constant 0 : i32
      %dma_start3A_487 = tpu.memref_slice %arg3[%add3A, %dma_start3A_485, %dma_start3A_486] : memref<32x20x128xi32, #tpu.memory_space<hbm>> -> memref<1x20x128xi32, #tpu.memory_space<hbm>>
      %dma_start3A_488 = tpu.memref_squeeze %dma_start3A_487 : memref<1x20x128xi32, #tpu.memory_space<hbm>> -> memref<20x128xi32, #tpu.memory_space<hbm>>
      tpu.enqueue_dma source(%dma_start3A_488 : memref<20x128xi32, #tpu.memory_space<hbm>>) target(%arg5 : memref<20x128xi32, #tpu.memory_space<vmem>>) target_semaphore(%run_scoped3A : memref<!tpu.dma_semaphore, #tpu.memory_space<semaphore_mem>>)
      %dma_wait3A_489 = arith.constant 0 : i32
      %dma_wait3A_490 = arith.constant 0 : i32
      %dma_wait3A_491 = tpu.memref_slice %arg3[%add3A, %dma_wait3A_489, %dma_wait3A_490] : memref<32x20x128xi32, #tpu.memory_space<hbm>> -> memref<1x20x128xi32, #tpu.memory_space<hbm>>
      %dma_wait3A_492 = tpu.memref_squeeze %dma_wait3A_491 : memref<1x20x128xi32, #tpu.memory_space<hbm>> -> memref<20x128xi32, #tpu.memory_space<hbm>>
      %dma_wait3A_493 = arith.constant 0 : i32
      %dma_wait3A_494 = arith.constant 0 : i32
      %dma_wait3A_495 = tpu.memref_slice %arg3[%add3A, %dma_wait3A_493, %dma_wait3A_494] : memref<32x20x128xi32, #tpu.memory_space<hbm>> -> memref<1x20x128xi32, #tpu.memory_space<hbm>>
      %dma_wait3A_496 = tpu.memref_squeeze %dma_wait3A_495 : memref<1x20x128xi32, #tpu.memory_space<hbm>> -> memref<20x128xi32, #tpu.memory_space<hbm>>
      tpu.wait_dma2 semaphore(%run_scoped3A : memref<!tpu.dma_semaphore, #tpu.memory_space<semaphore_mem>>) src(%dma_wait3A_496 : memref<20x128xi32, #tpu.memory_space<hbm>>) dst(%arg5 : memref<20x128xi32, #tpu.memory_space<vmem>>)
      tpu.yield
    }) : () -> ()
    %dma_start3A = arith.constant 0 : i32
    %dma_start3A_3 = arith.constant 0 : i32
    %dma_start3A_4 = tpu.memref_slice %arg5[%dma_start3A, %dma_start3A_3] : memref<20x128xi32, #tpu.memory_space<vmem>> -> memref<1x128xi32, #tpu.memory_space<vmem>>
    %dma_start3A_5 = tpu.memref_squeeze %dma_start3A_4 : memref<1x128xi32, #tpu.memory_space<vmem>> -> memref<128xi32, #tpu.memory_space<vmem>>
    %dma_start3A_6 = arith.constant 0 : i32
    %dma_start3A_7 = arith.constant 0 : i32
    %dma_start3A_8 = tpu.memref_slice %arg2[%dma_start3A_6, %dma_start3A_7] : memref<123x128xf32, #tpu.memory_space<hbm>> -> memref<123x128xf32, #tpu.memory_space<hbm>>
    tpu.enqueue_indirect_dma source(%dma_start3A_8 : memref<123x128xf32, #tpu.memory_space<hbm>>) target(%arg6 : memref<128x128xf32, #tpu.memory_space<vmem>>) offsets(%dma_start3A_5 : memref<128xi32, #tpu.memory_space<vmem>>) semaphore(%arg8 : memref<!tpu.dma_semaphore, #tpu.memory_space<semaphore_mem>>)
    %dma_start3A_9 = arith.constant 1 : i32
    %dma_start3A_10 = arith.constant 0 : i32
    %dma_start3A_11 = tpu.memref_slice %arg5[%dma_start3A_9, %dma_start3A_10] : memref<20x128xi32, #tpu.memory_space<vmem>> -> memref<1x128xi32, #tpu.memory_space<vmem>>
    %dma_start3A_12 = tpu.memref_squeeze %dma_start3A_11 : memref<1x128xi32, #tpu.memory_space<vmem>> -> memref<128xi32, #tpu.memory_space<vmem>>
    %dma_start3A_13 = arith.constant 0 : i32
    %dma_start3A_14 = arith.constant 0 : i32
    %dma_start3A_15 = tpu.memref_slice %arg2[%dma_start3A_13, %dma_start3A_14] : memref<123x128xf32, #tpu.memory_space<hbm>> -> memref<123x128xf32, #tpu.memory_space<hbm>>
    tpu.enqueue_indirect_dma source(%dma_start3A_15 : memref<123x128xf32, #tpu.memory_space<hbm>>) target(%arg7 : memref<128x128xf32, #tpu.memory_space<vmem>>) offsets(%dma_start3A_12 : memref<128xi32, #tpu.memory_space<vmem>>) semaphore(%arg9 : memref<!tpu.dma_semaphore, #tpu.memory_space<semaphore_mem>>)
    %dma_wait3A = arith.constant 0 : i32
    %dma_wait3A_16 = arith.constant 0 : i32
    %dma_wait3A_17 = tpu.memref_slice %arg5[%dma_wait3A, %dma_wait3A_16] : memref<20x128xi32, #tpu.memory_space<vmem>> -> memref<1x128xi32, #tpu.memory_space<vmem>>
    %dma_wait3A_18 = tpu.memref_squeeze %dma_wait3A_17 : memref<1x128xi32, #tpu.memory_space<vmem>> -> memref<128xi32, #tpu.memory_space<vmem>>
    %dma_wait3A_19 = arith.constant 0 : i32
    %dma_wait3A_20 = arith.constant 0 : i32
    %dma_wait3A_21 = tpu.memref_slice %arg2[%dma_wait3A_19, %dma_wait3A_20] : memref<123x128xf32, #tpu.memory_space<hbm>> -> memref<123x128xf32, #tpu.memory_space<hbm>>
    tpu.wait_indirect_dma semaphore(%arg8 : memref<!tpu.dma_semaphore, #tpu.memory_space<semaphore_mem>>) src(%dma_wait3A_21 : memref<123x128xf32, #tpu.memory_space<hbm>>) dst(%arg6 : memref<128x128xf32, #tpu.memory_space<vmem>>)
    %add3A_22 = arith.constant 0 : i32
    %add3A_23 = arith.addi %mul3A_2, %add3A_22 : i32
    %dma_start3A_24 = arith.constant 0 : i32
    %dma_start3A_25 = tpu.memref_slice %arg4[%add3A_23, %dma_start3A_24] : memref<81920x128xf32, #tpu.memory_space<hbm>> -> memref<128x128xf32, #tpu.memory_space<hbm>>
    %dma_start3A_26 = arith.constant 0 : i32
    %dma_start3A_27 = tpu.memref_slice %arg4[%add3A_23, %dma_start3A_26] : memref<81920x128xf32, #tpu.memory_space<hbm>> -> memref<128x128xf32, #tpu.memory_space<hbm>>
    tpu.enqueue_dma source(%arg6 : memref<128x128xf32, #tpu.memory_space<vmem>>) target(%dma_start3A_27 : memref<128x128xf32, #tpu.memory_space<hbm>>) target_semaphore(%arg10 : memref<!tpu.dma_semaphore, #tpu.memory_space<semaphore_mem>>)
    %dma_wait3A_28 = arith.constant 0 : i32
    %dma_wait3A_29 = tpu.memref_slice %arg4[%add3A_23, %dma_wait3A_28] : memref<81920x128xf32, #tpu.memory_space<hbm>> -> memref<128x128xf32, #tpu.memory_space<hbm>>
    %dma_wait3A_30 = arith.constant 0 : i32
    %dma_wait3A_31 = tpu.memref_slice %arg4[%add3A_23, %dma_wait3A_30] : memref<81920x128xf32, #tpu.memory_space<hbm>> -> memref<128x128xf32, #tpu.memory_space<hbm>>
    tpu.wait_dma2 semaphore(%arg10 : memref<!tpu.dma_semaphore, #tpu.memory_space<semaphore_mem>>) src(%arg6 : memref<128x128xf32, #tpu.memory_space<vmem>>) dst(%dma_wait3A_31 : memref<128x128xf32, #tpu.memory_space<hbm>>)
    %dma_start3A_32 = arith.constant 2 : i32
    %dma_start3A_33 = arith.constant 0 : i32
    %dma_start3A_34 = tpu.memref_slice %arg5[%dma_start3A_32, %dma_start3A_33] : memref<20x128xi32, #tpu.memory_space<vmem>> -> memref<1x128xi32, #tpu.memory_space<vmem>>
    %dma_start3A_35 = tpu.memref_squeeze %dma_start3A_34 : memref<1x128xi32, #tpu.memory_space<vmem>> -> memref<128xi32, #tpu.memory_space<vmem>>
    %dma_start3A_36 = arith.constant 0 : i32
    %dma_start3A_37 = arith.constant 0 : i32
    %dma_start3A_38 = tpu.memref_slice %arg2[%dma_start3A_36, %dma_start3A_37] : memref<123x128xf32, #tpu.memory_space<hbm>> -> memref<123x128xf32, #tpu.memory_space<hbm>>
    tpu.enqueue_indirect_dma source(%dma_start3A_38 : memref<123x128xf32, #tpu.memory_space<hbm>>) target(%arg6 : memref<128x128xf32, #tpu.memory_space<vmem>>) offsets(%dma_start3A_35 : memref<128xi32, #tpu.memory_space<vmem>>) semaphore(%arg8 : memref<!tpu.dma_semaphore, #tpu.memory_space<semaphore_mem>>)
    %dma_wait3A_39 = arith.constant 1 : i32
    %dma_wait3A_40 = arith.constant 0 : i32
    %dma_wait3A_41 = tpu.memref_slice %arg5[%dma_wait3A_39, %dma_wait3A_40] : memref<20x128xi32, #tpu.memory_space<vmem>> -> memref<1x128xi32, #tpu.memory_space<vmem>>
    %dma_wait3A_42 = tpu.memref_squeeze %dma_wait3A_41 : memref<1x128xi32, #tpu.memory_space<vmem>> -> memref<128xi32, #tpu.memory_space<vmem>>
    %dma_wait3A_43 = arith.constant 0 : i32
    %dma_wait3A_44 = arith.constant 0 : i32
    %dma_wait3A_45 = tpu.memref_slice %arg2[%dma_wait3A_43, %dma_wait3A_44] : memref<123x128xf32, #tpu.memory_space<hbm>> -> memref<123x128xf32, #tpu.memory_space<hbm>>
    tpu.wait_indirect_dma semaphore(%arg9 : memref<!tpu.dma_semaphore, #tpu.memory_space<semaphore_mem>>) src(%dma_wait3A_45 : memref<123x128xf32, #tpu.memory_space<hbm>>) dst(%arg7 : memref<128x128xf32, #tpu.memory_space<vmem>>)
    %add3A_46 = arith.constant 128 : i32
    %add3A_47 = arith.addi %mul3A_2, %add3A_46 : i32
    %dma_start3A_48 = arith.constant 0 : i32
    %dma_start3A_49 = tpu.memref_slice %arg4[%add3A_47, %dma_start3A_48] : memref<81920x128xf32, #tpu.memory_space<hbm>> -> memref<128x128xf32, #tpu.memory_space<hbm>>
    %dma_start3A_50 = arith.constant 0 : i32
    %dma_start3A_51 = tpu.memref_slice %arg4[%add3A_47, %dma_start3A_50] : memref<81920x128xf32, #tpu.memory_space<hbm>> -> memref<128x128xf32, #tpu.memory_space<hbm>>
    tpu.enqueue_dma source(%arg7 : memref<128x128xf32, #tpu.memory_space<vmem>>) target(%dma_start3A_51 : memref<128x128xf32, #tpu.memory_space<hbm>>) target_semaphore(%arg11 : memref<!tpu.dma_semaphore, #tpu.memory_space<semaphore_mem>>)
    %dma_wait3A_52 = arith.constant 0 : i32
    %dma_wait3A_53 = tpu.memref_slice %arg4[%add3A_47, %dma_wait3A_52] : memref<81920x128xf32, #tpu.memory_space<hbm>> -> memref<128x128xf32, #tpu.memory_space<hbm>>
    %dma_wait3A_54 = arith.constant 0 : i32
    %dma_wait3A_55 = tpu.memref_slice %arg4[%add3A_47, %dma_wait3A_54] : memref<81920x128xf32, #tpu.memory_space<hbm>> -> memref<128x128xf32, #tpu.memory_space<hbm>>
    tpu.wait_dma2 semaphore(%arg11 : memref<!tpu.dma_semaphore, #tpu.memory_space<semaphore_mem>>) src(%arg7 : memref<128x128xf32, #tpu.memory_space<vmem>>) dst(%dma_wait3A_55 : memref<128x128xf32, #tpu.memory_space<hbm>>)
    %dma_start3A_56 = arith.constant 3 : i32
    %dma_start3A_57 = arith.constant 0 : i32
    %dma_start3A_58 = tpu.memref_slice %arg5[%dma_start3A_56, %dma_start3A_57] : memref<20x128xi32, #tpu.memory_space<vmem>> -> memref<1x128xi32, #tpu.memory_space<vmem>>
    %dma_start3A_59 = tpu.memref_squeeze %dma_start3A_58 : memref<1x128xi32, #tpu.memory_space<vmem>> -> memref<128xi32, #tpu.memory_space<vmem>>
    %dma_start3A_60 = arith.constant 0 : i32
    %dma_start3A_61 = arith.constant 0 : i32
    %dma_start3A_62 = tpu.memref_slice %arg2[%dma_start3A_60, %dma_start3A_61] : memref<123x128xf32, #tpu.memory_space<hbm>> -> memref<123x128xf32, #tpu.memory_space<hbm>>
    tpu.enqueue_indirect_dma source(%dma_start3A_62 : memref<123x128xf32, #tpu.memory_space<hbm>>) target(%arg7 : memref<128x128xf32, #tpu.memory_space<vmem>>) offsets(%dma_start3A_59 : memref<128xi32, #tpu.memory_space<vmem>>) semaphore(%arg9 : memref<!tpu.dma_semaphore, #tpu.memory_space<semaphore_mem>>)
    %dma_wait3A_63 = arith.constant 2 : i32
    %dma_wait3A_64 = arith.constant 0 : i32
    %dma_wait3A_65 = tpu.memref_slice %arg5[%dma_wait3A_63, %dma_wait3A_64] : memref<20x128xi32, #tpu.memory_space<vmem>> -> memref<1x128xi32, #tpu.memory_space<vmem>>
    %dma_wait3A_66 = tpu.memref_squeeze %dma_wait3A_65 : memref<1x128xi32, #tpu.memory_space<vmem>> -> memref<128xi32, #tpu.memory_space<vmem>>
    %dma_wait3A_67 = arith.constant 0 : i32
    %dma_wait3A_68 = arith.constant 0 : i32
    %dma_wait3A_69 = tpu.memref_slice %arg2[%dma_wait3A_67, %dma_wait3A_68] : memref<123x128xf32, #tpu.memory_space<hbm>> -> memref<123x128xf32, #tpu.memory_space<hbm>>
    tpu.wait_indirect_dma semaphore(%arg8 : memref<!tpu.dma_semaphore, #tpu.memory_space<semaphore_mem>>) src(%dma_wait3A_69 : memref<123x128xf32, #tpu.memory_space<hbm>>) dst(%arg6 : memref<128x128xf32, #tpu.memory_space<vmem>>)
    %add3A_70 = arith.constant 256 : i32
    %add3A_71 = arith.addi %mul3A_2, %add3A_70 : i32
    %dma_start3A_72 = arith.constant 0 : i32
    %dma_start3A_73 = tpu.memref_slice %arg4[%add3A_71, %dma_start3A_72] : memref<81920x128xf32, #tpu.memory_space<hbm>> -> memref<128x128xf32, #tpu.memory_space<hbm>>
    %dma_start3A_74 = arith.constant 0 : i32
    %dma_start3A_75 = tpu.memref_slice %arg4[%add3A_71, %dma_start3A_74] : memref<81920x128xf32, #tpu.memory_space<hbm>> -> memref<128x128xf32, #tpu.memory_space<hbm>>
    tpu.enqueue_dma source(%arg6 : memref<128x128xf32, #tpu.memory_space<vmem>>) target(%dma_start3A_75 : memref<128x128xf32, #tpu.memory_space<hbm>>) target_semaphore(%arg10 : memref<!tpu.dma_semaphore, #tpu.memory_space<semaphore_mem>>)
    %dma_wait3A_76 = arith.constant 0 : i32
    %dma_wait3A_77 = tpu.memref_slice %arg4[%add3A_71, %dma_wait3A_76] : memref<81920x128xf32, #tpu.memory_space<hbm>> -> memref<128x128xf32, #tpu.memory_space<hbm>>
    %dma_wait3A_78 = arith.constant 0 : i32
    %dma_wait3A_79 = tpu.memref_slice %arg4[%add3A_71, %dma_wait3A_78] : memref<81920x128xf32, #tpu.memory_space<hbm>> -> memref<128x128xf32, #tpu.memory_space<hbm>>
    tpu.wait_dma2 semaphore(%arg10 : memref<!tpu.dma_semaphore, #tpu.memory_space<semaphore_mem>>) src(%arg6 : memref<128x128xf32, #tpu.memory_space<vmem>>) dst(%dma_wait3A_79 : memref<128x128xf32, #tpu.memory_space<hbm>>)
    %dma_start3A_80 = arith.constant 4 : i32
    %dma_start3A_81 = arith.constant 0 : i32
    %dma_start3A_82 = tpu.memref_slice %arg5[%dma_start3A_80, %dma_start3A_81] : memref<20x128xi32, #tpu.memory_space<vmem>> -> memref<1x128xi32, #tpu.memory_space<vmem>>
    %dma_start3A_83 = tpu.memref_squeeze %dma_start3A_82 : memref<1x128xi32, #tpu.memory_space<vmem>> -> memref<128xi32, #tpu.memory_space<vmem>>
    %dma_start3A_84 = arith.constant 0 : i32
    %dma_start3A_85 = arith.constant 0 : i32
    %dma_start3A_86 = tpu.memref_slice %arg2[%dma_start3A_84, %dma_start3A_85] : memref<123x128xf32, #tpu.memory_space<hbm>> -> memref<123x128xf32, #tpu.memory_space<hbm>>
    tpu.enqueue_indirect_dma source(%dma_start3A_86 : memref<123x128xf32, #tpu.memory_space<hbm>>) target(%arg6 : memref<128x128xf32, #tpu.memory_space<vmem>>) offsets(%dma_start3A_83 : memref<128xi32, #tpu.memory_space<vmem>>) semaphore(%arg8 : memref<!tpu.dma_semaphore, #tpu.memory_space<semaphore_mem>>)
    %dma_wait3A_87 = arith.constant 3 : i32
    %dma_wait3A_88 = arith.constant 0 : i32
    %dma_wait3A_89 = tpu.memref_slice %arg5[%dma_wait3A_87, %dma_wait3A_88] : memref<20x128xi32, #tpu.memory_space<vmem>> -> memref<1x128xi32, #tpu.memory_space<vmem>>
    %dma_wait3A_90 = tpu.memref_squeeze %dma_wait3A_89 : memref<1x128xi32, #tpu.memory_space<vmem>> -> memref<128xi32, #tpu.memory_space<vmem>>
    %dma_wait3A_91 = arith.constant 0 : i32
    %dma_wait3A_92 = arith.constant 0 : i32
    %dma_wait3A_93 = tpu.memref_slice %arg2[%dma_wait3A_91, %dma_wait3A_92] : memref<123x128xf32, #tpu.memory_space<hbm>> -> memref<123x128xf32, #tpu.memory_space<hbm>>
    tpu.wait_indirect_dma semaphore(%arg9 : memref<!tpu.dma_semaphore, #tpu.memory_space<semaphore_mem>>) src(%dma_wait3A_93 : memref<123x128xf32, #tpu.memory_space<hbm>>) dst(%arg7 : memref<128x128xf32, #tpu.memory_space<vmem>>)
    %add3A_94 = arith.constant 384 : i32
    %add3A_95 = arith.addi %mul3A_2, %add3A_94 : i32
    %dma_start3A_96 = arith.constant 0 : i32
    %dma_start3A_97 = tpu.memref_slice %arg4[%add3A_95, %dma_start3A_96] : memref<81920x128xf32, #tpu.memory_space<hbm>> -> memref<128x128xf32, #tpu.memory_space<hbm>>
    %dma_start3A_98 = arith.constant 0 : i32
    %dma_start3A_99 = tpu.memref_slice %arg4[%add3A_95, %dma_start3A_98] : memref<81920x128xf32, #tpu.memory_space<hbm>> -> memref<128x128xf32, #tpu.memory_space<hbm>>
    tpu.enqueue_dma source(%arg7 : memref<128x128xf32, #tpu.memory_space<vmem>>) target(%dma_start3A_99 : memref<128x128xf32, #tpu.memory_space<hbm>>) target_semaphore(%arg11 : memref<!tpu.dma_semaphore, #tpu.memory_space<semaphore_mem>>)
    %dma_wait3A_100 = arith.constant 0 : i32
    %dma_wait3A_101 = tpu.memref_slice %arg4[%add3A_95, %dma_wait3A_100] : memref<81920x128xf32, #tpu.memory_space<hbm>> -> memref<128x128xf32, #tpu.memory_space<hbm>>
    %dma_wait3A_102 = arith.constant 0 : i32
    %dma_wait3A_103 = tpu.memref_slice %arg4[%add3A_95, %dma_wait3A_102] : memref<81920x128xf32, #tpu.memory_space<hbm>> -> memref<128x128xf32, #tpu.memory_space<hbm>>
    tpu.wait_dma2 semaphore(%arg11 : memref<!tpu.dma_semaphore, #tpu.memory_space<semaphore_mem>>) src(%arg7 : memref<128x128xf32, #tpu.memory_space<vmem>>) dst(%dma_wait3A_103 : memref<128x128xf32, #tpu.memory_space<hbm>>)
    %dma_start3A_104 = arith.constant 5 : i32
    %dma_start3A_105 = arith.constant 0 : i32
    %dma_start3A_106 = tpu.memref_slice %arg5[%dma_start3A_104, %dma_start3A_105] : memref<20x128xi32, #tpu.memory_space<vmem>> -> memref<1x128xi32, #tpu.memory_space<vmem>>
    %dma_start3A_107 = tpu.memref_squeeze %dma_start3A_106 : memref<1x128xi32, #tpu.memory_space<vmem>> -> memref<128xi32, #tpu.memory_space<vmem>>
    %dma_start3A_108 = arith.constant 0 : i32
    %dma_start3A_109 = arith.constant 0 : i32
    %dma_start3A_110 = tpu.memref_slice %arg2[%dma_start3A_108, %dma_start3A_109] : memref<123x128xf32, #tpu.memory_space<hbm>> -> memref<123x128xf32, #tpu.memory_space<hbm>>
    tpu.enqueue_indirect_dma source(%dma_start3A_110 : memref<123x128xf32, #tpu.memory_space<hbm>>) target(%arg7 : memref<128x128xf32, #tpu.memory_space<vmem>>) offsets(%dma_start3A_107 : memref<128xi32, #tpu.memory_space<vmem>>) semaphore(%arg9 : memref<!tpu.dma_semaphore, #tpu.memory_space<semaphore_mem>>)
    %dma_wait3A_111 = arith.constant 4 : i32
    %dma_wait3A_112 = arith.constant 0 : i32
    %dma_wait3A_113 = tpu.memref_slice %arg5[%dma_wait3A_111, %dma_wait3A_112] : memref<20x128xi32, #tpu.memory_space<vmem>> -> memref<1x128xi32, #tpu.memory_space<vmem>>
    %dma_wait3A_114 = tpu.memref_squeeze %dma_wait3A_113 : memref<1x128xi32, #tpu.memory_space<vmem>> -> memref<128xi32, #tpu.memory_space<vmem>>
    %dma_wait3A_115 = arith.constant 0 : i32
    %dma_wait3A_116 = arith.constant 0 : i32
    %dma_wait3A_117 = tpu.memref_slice %arg2[%dma_wait3A_115, %dma_wait3A_116] : memref<123x128xf32, #tpu.memory_space<hbm>> -> memref<123x128xf32, #tpu.memory_space<hbm>>
    tpu.wait_indirect_dma semaphore(%arg8 : memref<!tpu.dma_semaphore, #tpu.memory_space<semaphore_mem>>) src(%dma_wait3A_117 : memref<123x128xf32, #tpu.memory_space<hbm>>) dst(%arg6 : memref<128x128xf32, #tpu.memory_space<vmem>>)
    %add3A_118 = arith.constant 512 : i32
    %add3A_119 = arith.addi %mul3A_2, %add3A_118 : i32
    %dma_start3A_120 = arith.constant 0 : i32
    %dma_start3A_121 = tpu.memref_slice %arg4[%add3A_119, %dma_start3A_120] : memref<81920x128xf32, #tpu.memory_space<hbm>> -> memref<128x128xf32, #tpu.memory_space<hbm>>
    %dma_start3A_122 = arith.constant 0 : i32
    %dma_start3A_123 = tpu.memref_slice %arg4[%add3A_119, %dma_start3A_122] : memref<81920x128xf32, #tpu.memory_space<hbm>> -> memref<128x128xf32, #tpu.memory_space<hbm>>
    tpu.enqueue_dma source(%arg6 : memref<128x128xf32, #tpu.memory_space<vmem>>) target(%dma_start3A_123 : memref<128x128xf32, #tpu.memory_space<hbm>>) target_semaphore(%arg10 : memref<!tpu.dma_semaphore, #tpu.memory_space<semaphore_mem>>)
    %dma_wait3A_124 = arith.constant 0 : i32
    %dma_wait3A_125 = tpu.memref_slice %arg4[%add3A_119, %dma_wait3A_124] : memref<81920x128xf32, #tpu.memory_space<hbm>> -> memref<128x128xf32, #tpu.memory_space<hbm>>
    %dma_wait3A_126 = arith.constant 0 : i32
    %dma_wait3A_127 = tpu.memref_slice %arg4[%add3A_119, %dma_wait3A_126] : memref<81920x128xf32, #tpu.memory_space<hbm>> -> memref<128x128xf32, #tpu.memory_space<hbm>>
    tpu.wait_dma2 semaphore(%arg10 : memref<!tpu.dma_semaphore, #tpu.memory_space<semaphore_mem>>) src(%arg6 : memref<128x128xf32, #tpu.memory_space<vmem>>) dst(%dma_wait3A_127 : memref<128x128xf32, #tpu.memory_space<hbm>>)
    %dma_start3A_128 = arith.constant 6 : i32
    %dma_start3A_129 = arith.constant 0 : i32
    %dma_start3A_130 = tpu.memref_slice %arg5[%dma_start3A_128, %dma_start3A_129] : memref<20x128xi32, #tpu.memory_space<vmem>> -> memref<1x128xi32, #tpu.memory_space<vmem>>
    %dma_start3A_131 = tpu.memref_squeeze %dma_start3A_130 : memref<1x128xi32, #tpu.memory_space<vmem>> -> memref<128xi32, #tpu.memory_space<vmem>>
    %dma_start3A_132 = arith.constant 0 : i32
    %dma_start3A_133 = arith.constant 0 : i32
    %dma_start3A_134 = tpu.memref_slice %arg2[%dma_start3A_132, %dma_start3A_133] : memref<123x128xf32, #tpu.memory_space<hbm>> -> memref<123x128xf32, #tpu.memory_space<hbm>>
    tpu.enqueue_indirect_dma source(%dma_start3A_134 : memref<123x128xf32, #tpu.memory_space<hbm>>) target(%arg6 : memref<128x128xf32, #tpu.memory_space<vmem>>) offsets(%dma_start3A_131 : memref<128xi32, #tpu.memory_space<vmem>>) semaphore(%arg8 : memref<!tpu.dma_semaphore, #tpu.memory_space<semaphore_mem>>)
    %dma_wait3A_135 = arith.constant 5 : i32
    %dma_wait3A_136 = arith.constant 0 : i32
    %dma_wait3A_137 = tpu.memref_slice %arg5[%dma_wait3A_135, %dma_wait3A_136] : memref<20x128xi32, #tpu.memory_space<vmem>> -> memref<1x128xi32, #tpu.memory_space<vmem>>
    %dma_wait3A_138 = tpu.memref_squeeze %dma_wait3A_137 : memref<1x128xi32, #tpu.memory_space<vmem>> -> memref<128xi32, #tpu.memory_space<vmem>>
    %dma_wait3A_139 = arith.constant 0 : i32
    %dma_wait3A_140 = arith.constant 0 : i32
    %dma_wait3A_141 = tpu.memref_slice %arg2[%dma_wait3A_139, %dma_wait3A_140] : memref<123x128xf32, #tpu.memory_space<hbm>> -> memref<123x128xf32, #tpu.memory_space<hbm>>
    tpu.wait_indirect_dma semaphore(%arg9 : memref<!tpu.dma_semaphore, #tpu.memory_space<semaphore_mem>>) src(%dma_wait3A_141 : memref<123x128xf32, #tpu.memory_space<hbm>>) dst(%arg7 : memref<128x128xf32, #tpu.memory_space<vmem>>)
    %add3A_142 = arith.constant 640 : i32
    %add3A_143 = arith.addi %mul3A_2, %add3A_142 : i32
    %dma_start3A_144 = arith.constant 0 : i32
    %dma_start3A_145 = tpu.memref_slice %arg4[%add3A_143, %dma_start3A_144] : memref<81920x128xf32, #tpu.memory_space<hbm>> -> memref<128x128xf32, #tpu.memory_space<hbm>>
    %dma_start3A_146 = arith.constant 0 : i32
    %dma_start3A_147 = tpu.memref_slice %arg4[%add3A_143, %dma_start3A_146] : memref<81920x128xf32, #tpu.memory_space<hbm>> -> memref<128x128xf32, #tpu.memory_space<hbm>>
    tpu.enqueue_dma source(%arg7 : memref<128x128xf32, #tpu.memory_space<vmem>>) target(%dma_start3A_147 : memref<128x128xf32, #tpu.memory_space<hbm>>) target_semaphore(%arg11 : memref<!tpu.dma_semaphore, #tpu.memory_space<semaphore_mem>>)
    %dma_wait3A_148 = arith.constant 0 : i32
    %dma_wait3A_149 = tpu.memref_slice %arg4[%add3A_143, %dma_wait3A_148] : memref<81920x128xf32, #tpu.memory_space<hbm>> -> memref<128x128xf32, #tpu.memory_space<hbm>>
    %dma_wait3A_150 = arith.constant 0 : i32
    %dma_wait3A_151 = tpu.memref_slice %arg4[%add3A_143, %dma_wait3A_150] : memref<81920x128xf32, #tpu.memory_space<hbm>> -> memref<128x128xf32, #tpu.memory_space<hbm>>
    tpu.wait_dma2 semaphore(%arg11 : memref<!tpu.dma_semaphore, #tpu.memory_space<semaphore_mem>>) src(%arg7 : memref<128x128xf32, #tpu.memory_space<vmem>>) dst(%dma_wait3A_151 : memref<128x128xf32, #tpu.memory_space<hbm>>)
    %dma_start3A_152 = arith.constant 7 : i32
    %dma_start3A_153 = arith.constant 0 : i32
    %dma_start3A_154 = tpu.memref_slice %arg5[%dma_start3A_152, %dma_start3A_153] : memref<20x128xi32, #tpu.memory_space<vmem>> -> memref<1x128xi32, #tpu.memory_space<vmem>>
    %dma_start3A_155 = tpu.memref_squeeze %dma_start3A_154 : memref<1x128xi32, #tpu.memory_space<vmem>> -> memref<128xi32, #tpu.memory_space<vmem>>
    %dma_start3A_156 = arith.constant 0 : i32
    %dma_start3A_157 = arith.constant 0 : i32
    %dma_start3A_158 = tpu.memref_slice %arg2[%dma_start3A_156, %dma_start3A_157] : memref<123x128xf32, #tpu.memory_space<hbm>> -> memref<123x128xf32, #tpu.memory_space<hbm>>
    tpu.enqueue_indirect_dma source(%dma_start3A_158 : memref<123x128xf32, #tpu.memory_space<hbm>>) target(%arg7 : memref<128x128xf32, #tpu.memory_space<vmem>>) offsets(%dma_start3A_155 : memref<128xi32, #tpu.memory_space<vmem>>) semaphore(%arg9 : memref<!tpu.dma_semaphore, #tpu.memory_space<semaphore_mem>>)
    %dma_wait3A_159 = arith.constant 6 : i32
    %dma_wait3A_160 = arith.constant 0 : i32
    %dma_wait3A_161 = tpu.memref_slice %arg5[%dma_wait3A_159, %dma_wait3A_160] : memref<20x128xi32, #tpu.memory_space<vmem>> -> memref<1x128xi32, #tpu.memory_space<vmem>>
    %dma_wait3A_162 = tpu.memref_squeeze %dma_wait3A_161 : memref<1x128xi32, #tpu.memory_space<vmem>> -> memref<128xi32, #tpu.memory_space<vmem>>
    %dma_wait3A_163 = arith.constant 0 : i32
    %dma_wait3A_164 = arith.constant 0 : i32
    %dma_wait3A_165 = tpu.memref_slice %arg2[%dma_wait3A_163, %dma_wait3A_164] : memref<123x128xf32, #tpu.memory_space<hbm>> -> memref<123x128xf32, #tpu.memory_space<hbm>>
    tpu.wait_indirect_dma semaphore(%arg8 : memref<!tpu.dma_semaphore, #tpu.memory_space<semaphore_mem>>) src(%dma_wait3A_165 : memref<123x128xf32, #tpu.memory_space<hbm>>) dst(%arg6 : memref<128x128xf32, #tpu.memory_space<vmem>>)
    %add3A_166 = arith.constant 768 : i32
    %add3A_167 = arith.addi %mul3A_2, %add3A_166 : i32
    %dma_start3A_168 = arith.constant 0 : i32
    %dma_start3A_169 = tpu.memref_slice %arg4[%add3A_167, %dma_start3A_168] : memref<81920x128xf32, #tpu.memory_space<hbm>> -> memref<128x128xf32, #tpu.memory_space<hbm>>
    %dma_start3A_170 = arith.constant 0 : i32
    %dma_start3A_171 = tpu.memref_slice %arg4[%add3A_167, %dma_start3A_170] : memref<81920x128xf32, #tpu.memory_space<hbm>> -> memref<128x128xf32, #tpu.memory_space<hbm>>
    tpu.enqueue_dma source(%arg6 : memref<128x128xf32, #tpu.memory_space<vmem>>) target(%dma_start3A_171 : memref<128x128xf32, #tpu.memory_space<hbm>>) target_semaphore(%arg10 : memref<!tpu.dma_semaphore, #tpu.memory_space<semaphore_mem>>)
    %dma_wait3A_172 = arith.constant 0 : i32
    %dma_wait3A_173 = tpu.memref_slice %arg4[%add3A_167, %dma_wait3A_172] : memref<81920x128xf32, #tpu.memory_space<hbm>> -> memref<128x128xf32, #tpu.memory_space<hbm>>
    %dma_wait3A_174 = arith.constant 0 : i32
    %dma_wait3A_175 = tpu.memref_slice %arg4[%add3A_167, %dma_wait3A_174] : memref<81920x128xf32, #tpu.memory_space<hbm>> -> memref<128x128xf32, #tpu.memory_space<hbm>>
    tpu.wait_dma2 semaphore(%arg10 : memref<!tpu.dma_semaphore, #tpu.memory_space<semaphore_mem>>) src(%arg6 : memref<128x128xf32, #tpu.memory_space<vmem>>) dst(%dma_wait3A_175 : memref<128x128xf32, #tpu.memory_space<hbm>>)
    %dma_start3A_176 = arith.constant 8 : i32
    %dma_start3A_177 = arith.constant 0 : i32
    %dma_start3A_178 = tpu.memref_slice %arg5[%dma_start3A_176, %dma_start3A_177] : memref<20x128xi32, #tpu.memory_space<vmem>> -> memref<1x128xi32, #tpu.memory_space<vmem>>
    %dma_start3A_179 = tpu.memref_squeeze %dma_start3A_178 : memref<1x128xi32, #tpu.memory_space<vmem>> -> memref<128xi32, #tpu.memory_space<vmem>>
    %dma_start3A_180 = arith.constant 0 : i32
    %dma_start3A_181 = arith.constant 0 : i32
    %dma_start3A_182 = tpu.memref_slice %arg2[%dma_start3A_180, %dma_start3A_181] : memref<123x128xf32, #tpu.memory_space<hbm>> -> memref<123x128xf32, #tpu.memory_space<hbm>>
    tpu.enqueue_indirect_dma source(%dma_start3A_182 : memref<123x128xf32, #tpu.memory_space<hbm>>) target(%arg6 : memref<128x128xf32, #tpu.memory_space<vmem>>) offsets(%dma_start3A_179 : memref<128xi32, #tpu.memory_space<vmem>>) semaphore(%arg8 : memref<!tpu.dma_semaphore, #tpu.memory_space<semaphore_mem>>)
    %dma_wait3A_183 = arith.constant 7 : i32
    %dma_wait3A_184 = arith.constant 0 : i32
    %dma_wait3A_185 = tpu.memref_slice %arg5[%dma_wait3A_183, %dma_wait3A_184] : memref<20x128xi32, #tpu.memory_space<vmem>> -> memref<1x128xi32, #tpu.memory_space<vmem>>
    %dma_wait3A_186 = tpu.memref_squeeze %dma_wait3A_185 : memref<1x128xi32, #tpu.memory_space<vmem>> -> memref<128xi32, #tpu.memory_space<vmem>>
    %dma_wait3A_187 = arith.constant 0 : i32
    %dma_wait3A_188 = arith.constant 0 : i32
    %dma_wait3A_189 = tpu.memref_slice %arg2[%dma_wait3A_187, %dma_wait3A_188] : memref<123x128xf32, #tpu.memory_space<hbm>> -> memref<123x128xf32, #tpu.memory_space<hbm>>
    tpu.wait_indirect_dma semaphore(%arg9 : memref<!tpu.dma_semaphore, #tpu.memory_space<semaphore_mem>>) src(%dma_wait3A_189 : memref<123x128xf32, #tpu.memory_space<hbm>>) dst(%arg7 : memref<128x128xf32, #tpu.memory_space<vmem>>)
    %add3A_190 = arith.constant 896 : i32
    %add3A_191 = arith.addi %mul3A_2, %add3A_190 : i32
    %dma_start3A_192 = arith.constant 0 : i32
    %dma_start3A_193 = tpu.memref_slice %arg4[%add3A_191, %dma_start3A_192] : memref<81920x128xf32, #tpu.memory_space<hbm>> -> memref<128x128xf32, #tpu.memory_space<hbm>>
    %dma_start3A_194 = arith.constant 0 : i32
    %dma_start3A_195 = tpu.memref_slice %arg4[%add3A_191, %dma_start3A_194] : memref<81920x128xf32, #tpu.memory_space<hbm>> -> memref<128x128xf32, #tpu.memory_space<hbm>>
    tpu.enqueue_dma source(%arg7 : memref<128x128xf32, #tpu.memory_space<vmem>>) target(%dma_start3A_195 : memref<128x128xf32, #tpu.memory_space<hbm>>) target_semaphore(%arg11 : memref<!tpu.dma_semaphore, #tpu.memory_space<semaphore_mem>>)
    %dma_wait3A_196 = arith.constant 0 : i32
    %dma_wait3A_197 = tpu.memref_slice %arg4[%add3A_191, %dma_wait3A_196] : memref<81920x128xf32, #tpu.memory_space<hbm>> -> memref<128x128xf32, #tpu.memory_space<hbm>>
    %dma_wait3A_198 = arith.constant 0 : i32
    %dma_wait3A_199 = tpu.memref_slice %arg4[%add3A_191, %dma_wait3A_198] : memref<81920x128xf32, #tpu.memory_space<hbm>> -> memref<128x128xf32, #tpu.memory_space<hbm>>
    tpu.wait_dma2 semaphore(%arg11 : memref<!tpu.dma_semaphore, #tpu.memory_space<semaphore_mem>>) src(%arg7 : memref<128x128xf32, #tpu.memory_space<vmem>>) dst(%dma_wait3A_199 : memref<128x128xf32, #tpu.memory_space<hbm>>)
    %dma_start3A_200 = arith.constant 9 : i32
    %dma_start3A_201 = arith.constant 0 : i32
    %dma_start3A_202 = tpu.memref_slice %arg5[%dma_start3A_200, %dma_start3A_201] : memref<20x128xi32, #tpu.memory_space<vmem>> -> memref<1x128xi32, #tpu.memory_space<vmem>>
    %dma_start3A_203 = tpu.memref_squeeze %dma_start3A_202 : memref<1x128xi32, #tpu.memory_space<vmem>> -> memref<128xi32, #tpu.memory_space<vmem>>
    %dma_start3A_204 = arith.constant 0 : i32
    %dma_start3A_205 = arith.constant 0 : i32
    %dma_start3A_206 = tpu.memref_slice %arg2[%dma_start3A_204, %dma_start3A_205] : memref<123x128xf32, #tpu.memory_space<hbm>> -> memref<123x128xf32, #tpu.memory_space<hbm>>
    tpu.enqueue_indirect_dma source(%dma_start3A_206 : memref<123x128xf32, #tpu.memory_space<hbm>>) target(%arg7 : memref<128x128xf32, #tpu.memory_space<vmem>>) offsets(%dma_start3A_203 : memref<128xi32, #tpu.memory_space<vmem>>) semaphore(%arg9 : memref<!tpu.dma_semaphore, #tpu.memory_space<semaphore_mem>>)
    %dma_wait3A_207 = arith.constant 8 : i32
    %dma_wait3A_208 = arith.constant 0 : i32
    %dma_wait3A_209 = tpu.memref_slice %arg5[%dma_wait3A_207, %dma_wait3A_208] : memref<20x128xi32, #tpu.memory_space<vmem>> -> memref<1x128xi32, #tpu.memory_space<vmem>>
    %dma_wait3A_210 = tpu.memref_squeeze %dma_wait3A_209 : memref<1x128xi32, #tpu.memory_space<vmem>> -> memref<128xi32, #tpu.memory_space<vmem>>
    %dma_wait3A_211 = arith.constant 0 : i32
    %dma_wait3A_212 = arith.constant 0 : i32
    %dma_wait3A_213 = tpu.memref_slice %arg2[%dma_wait3A_211, %dma_wait3A_212] : memref<123x128xf32, #tpu.memory_space<hbm>> -> memref<123x128xf32, #tpu.memory_space<hbm>>
    tpu.wait_indirect_dma semaphore(%arg8 : memref<!tpu.dma_semaphore, #tpu.memory_space<semaphore_mem>>) src(%dma_wait3A_213 : memref<123x128xf32, #tpu.memory_space<hbm>>) dst(%arg6 : memref<128x128xf32, #tpu.memory_space<vmem>>)
    %add3A_214 = arith.constant 1024 : i32
    %add3A_215 = arith.addi %mul3A_2, %add3A_214 : i32
    %dma_start3A_216 = arith.constant 0 : i32
    %dma_start3A_217 = tpu.memref_slice %arg4[%add3A_215, %dma_start3A_216] : memref<81920x128xf32, #tpu.memory_space<hbm>> -> memref<128x128xf32, #tpu.memory_space<hbm>>
    %dma_start3A_218 = arith.constant 0 : i32
    %dma_start3A_219 = tpu.memref_slice %arg4[%add3A_215, %dma_start3A_218] : memref<81920x128xf32, #tpu.memory_space<hbm>> -> memref<128x128xf32, #tpu.memory_space<hbm>>
    tpu.enqueue_dma source(%arg6 : memref<128x128xf32, #tpu.memory_space<vmem>>) target(%dma_start3A_219 : memref<128x128xf32, #tpu.memory_space<hbm>>) target_semaphore(%arg10 : memref<!tpu.dma_semaphore, #tpu.memory_space<semaphore_mem>>)
    %dma_wait3A_220 = arith.constant 0 : i32
    %dma_wait3A_221 = tpu.memref_slice %arg4[%add3A_215, %dma_wait3A_220] : memref<81920x128xf32, #tpu.memory_space<hbm>> -> memref<128x128xf32, #tpu.memory_space<hbm>>
    %dma_wait3A_222 = arith.constant 0 : i32
    %dma_wait3A_223 = tpu.memref_slice %arg4[%add3A_215, %dma_wait3A_222] : memref<81920x128xf32, #tpu.memory_space<hbm>> -> memref<128x128xf32, #tpu.memory_space<hbm>>
    tpu.wait_dma2 semaphore(%arg10 : memref<!tpu.dma_semaphore, #tpu.memory_space<semaphore_mem>>) src(%arg6 : memref<128x128xf32, #tpu.memory_space<vmem>>) dst(%dma_wait3A_223 : memref<128x128xf32, #tpu.memory_space<hbm>>)
    %dma_start3A_224 = arith.constant 10 : i32
    %dma_start3A_225 = arith.constant 0 : i32
    %dma_start3A_226 = tpu.memref_slice %arg5[%dma_start3A_224, %dma_start3A_225] : memref<20x128xi32, #tpu.memory_space<vmem>> -> memref<1x128xi32, #tpu.memory_space<vmem>>
    %dma_start3A_227 = tpu.memref_squeeze %dma_start3A_226 : memref<1x128xi32, #tpu.memory_space<vmem>> -> memref<128xi32, #tpu.memory_space<vmem>>
    %dma_start3A_228 = arith.constant 0 : i32
    %dma_start3A_229 = arith.constant 0 : i32
    %dma_start3A_230 = tpu.memref_slice %arg2[%dma_start3A_228, %dma_start3A_229] : memref<123x128xf32, #tpu.memory_space<hbm>> -> memref<123x128xf32, #tpu.memory_space<hbm>>
    tpu.enqueue_indirect_dma source(%dma_start3A_230 : memref<123x128xf32, #tpu.memory_space<hbm>>) target(%arg6 : memref<128x128xf32, #tpu.memory_space<vmem>>) offsets(%dma_start3A_227 : memref<128xi32, #tpu.memory_space<vmem>>) semaphore(%arg8 : memref<!tpu.dma_semaphore, #tpu.memory_space<semaphore_mem>>)
    %dma_wait3A_231 = arith.constant 9 : i32
    %dma_wait3A_232 = arith.constant 0 : i32
    %dma_wait3A_233 = tpu.memref_slice %arg5[%dma_wait3A_231, %dma_wait3A_232] : memref<20x128xi32, #tpu.memory_space<vmem>> -> memref<1x128xi32, #tpu.memory_space<vmem>>
    %dma_wait3A_234 = tpu.memref_squeeze %dma_wait3A_233 : memref<1x128xi32, #tpu.memory_space<vmem>> -> memref<128xi32, #tpu.memory_space<vmem>>
    %dma_wait3A_235 = arith.constant 0 : i32
    %dma_wait3A_236 = arith.constant 0 : i32
    %dma_wait3A_237 = tpu.memref_slice %arg2[%dma_wait3A_235, %dma_wait3A_236] : memref<123x128xf32, #tpu.memory_space<hbm>> -> memref<123x128xf32, #tpu.memory_space<hbm>>
    tpu.wait_indirect_dma semaphore(%arg9 : memref<!tpu.dma_semaphore, #tpu.memory_space<semaphore_mem>>) src(%dma_wait3A_237 : memref<123x128xf32, #tpu.memory_space<hbm>>) dst(%arg7 : memref<128x128xf32, #tpu.memory_space<vmem>>)
    %add3A_238 = arith.constant 1152 : i32
    %add3A_239 = arith.addi %mul3A_2, %add3A_238 : i32
    %dma_start3A_240 = arith.constant 0 : i32
    %dma_start3A_241 = tpu.memref_slice %arg4[%add3A_239, %dma_start3A_240] : memref<81920x128xf32, #tpu.memory_space<hbm>> -> memref<128x128xf32, #tpu.memory_space<hbm>>
    %dma_start3A_242 = arith.constant 0 : i32
    %dma_start3A_243 = tpu.memref_slice %arg4[%add3A_239, %dma_start3A_242] : memref<81920x128xf32, #tpu.memory_space<hbm>> -> memref<128x128xf32, #tpu.memory_space<hbm>>
    tpu.enqueue_dma source(%arg7 : memref<128x128xf32, #tpu.memory_space<vmem>>) target(%dma_start3A_243 : memref<128x128xf32, #tpu.memory_space<hbm>>) target_semaphore(%arg11 : memref<!tpu.dma_semaphore, #tpu.memory_space<semaphore_mem>>)
    %dma_wait3A_244 = arith.constant 0 : i32
    %dma_wait3A_245 = tpu.memref_slice %arg4[%add3A_239, %dma_wait3A_244] : memref<81920x128xf32, #tpu.memory_space<hbm>> -> memref<128x128xf32, #tpu.memory_space<hbm>>
    %dma_wait3A_246 = arith.constant 0 : i32
    %dma_wait3A_247 = tpu.memref_slice %arg4[%add3A_239, %dma_wait3A_246] : memref<81920x128xf32, #tpu.memory_space<hbm>> -> memref<128x128xf32, #tpu.memory_space<hbm>>
    tpu.wait_dma2 semaphore(%arg11 : memref<!tpu.dma_semaphore, #tpu.memory_space<semaphore_mem>>) src(%arg7 : memref<128x128xf32, #tpu.memory_space<vmem>>) dst(%dma_wait3A_247 : memref<128x128xf32, #tpu.memory_space<hbm>>)
    %dma_start3A_248 = arith.constant 11 : i32
    %dma_start3A_249 = arith.constant 0 : i32
    %dma_start3A_250 = tpu.memref_slice %arg5[%dma_start3A_248, %dma_start3A_249] : memref<20x128xi32, #tpu.memory_space<vmem>> -> memref<1x128xi32, #tpu.memory_space<vmem>>
    %dma_start3A_251 = tpu.memref_squeeze %dma_start3A_250 : memref<1x128xi32, #tpu.memory_space<vmem>> -> memref<128xi32, #tpu.memory_space<vmem>>
    %dma_start3A_252 = arith.constant 0 : i32
    %dma_start3A_253 = arith.constant 0 : i32
    %dma_start3A_254 = tpu.memref_slice %arg2[%dma_start3A_252, %dma_start3A_253] : memref<123x128xf32, #tpu.memory_space<hbm>> -> memref<123x128xf32, #tpu.memory_space<hbm>>
    tpu.enqueue_indirect_dma source(%dma_start3A_254 : memref<123x128xf32, #tpu.memory_space<hbm>>) target(%arg7 : memref<128x128xf32, #tpu.memory_space<vmem>>) offsets(%dma_start3A_251 : memref<128xi32, #tpu.memory_space<vmem>>) semaphore(%arg9 : memref<!tpu.dma_semaphore, #tpu.memory_space<semaphore_mem>>)
    %dma_wait3A_255 = arith.constant 10 : i32
    %dma_wait3A_256 = arith.constant 0 : i32
    %dma_wait3A_257 = tpu.memref_slice %arg5[%dma_wait3A_255, %dma_wait3A_256] : memref<20x128xi32, #tpu.memory_space<vmem>> -> memref<1x128xi32, #tpu.memory_space<vmem>>
    %dma_wait3A_258 = tpu.memref_squeeze %dma_wait3A_257 : memref<1x128xi32, #tpu.memory_space<vmem>> -> memref<128xi32, #tpu.memory_space<vmem>>
    %dma_wait3A_259 = arith.constant 0 : i32
    %dma_wait3A_260 = arith.constant 0 : i32
    %dma_wait3A_261 = tpu.memref_slice %arg2[%dma_wait3A_259, %dma_wait3A_260] : memref<123x128xf32, #tpu.memory_space<hbm>> -> memref<123x128xf32, #tpu.memory_space<hbm>>
    tpu.wait_indirect_dma semaphore(%arg8 : memref<!tpu.dma_semaphore, #tpu.memory_space<semaphore_mem>>) src(%dma_wait3A_261 : memref<123x128xf32, #tpu.memory_space<hbm>>) dst(%arg6 : memref<128x128xf32, #tpu.memory_space<vmem>>)
    %add3A_262 = arith.constant 1280 : i32
    %add3A_263 = arith.addi %mul3A_2, %add3A_262 : i32
    %dma_start3A_264 = arith.constant 0 : i32
    %dma_start3A_265 = tpu.memref_slice %arg4[%add3A_263, %dma_start3A_264] : memref<81920x128xf32, #tpu.memory_space<hbm>> -> memref<128x128xf32, #tpu.memory_space<hbm>>
    %dma_start3A_266 = arith.constant 0 : i32
    %dma_start3A_267 = tpu.memref_slice %arg4[%add3A_263, %dma_start3A_266] : memref<81920x128xf32, #tpu.memory_space<hbm>> -> memref<128x128xf32, #tpu.memory_space<hbm>>
    tpu.enqueue_dma source(%arg6 : memref<128x128xf32, #tpu.memory_space<vmem>>) target(%dma_start3A_267 : memref<128x128xf32, #tpu.memory_space<hbm>>) target_semaphore(%arg10 : memref<!tpu.dma_semaphore, #tpu.memory_space<semaphore_mem>>)
    %dma_wait3A_268 = arith.constant 0 : i32
    %dma_wait3A_269 = tpu.memref_slice %arg4[%add3A_263, %dma_wait3A_268] : memref<81920x128xf32, #tpu.memory_space<hbm>> -> memref<128x128xf32, #tpu.memory_space<hbm>>
    %dma_wait3A_270 = arith.constant 0 : i32
    %dma_wait3A_271 = tpu.memref_slice %arg4[%add3A_263, %dma_wait3A_270] : memref<81920x128xf32, #tpu.memory_space<hbm>> -> memref<128x128xf32, #tpu.memory_space<hbm>>
    tpu.wait_dma2 semaphore(%arg10 : memref<!tpu.dma_semaphore, #tpu.memory_space<semaphore_mem>>) src(%arg6 : memref<128x128xf32, #tpu.memory_space<vmem>>) dst(%dma_wait3A_271 : memref<128x128xf32, #tpu.memory_space<hbm>>)
    %dma_start3A_272 = arith.constant 12 : i32
    %dma_start3A_273 = arith.constant 0 : i32
    %dma_start3A_274 = tpu.memref_slice %arg5[%dma_start3A_272, %dma_start3A_273] : memref<20x128xi32, #tpu.memory_space<vmem>> -> memref<1x128xi32, #tpu.memory_space<vmem>>
    %dma_start3A_275 = tpu.memref_squeeze %dma_start3A_274 : memref<1x128xi32, #tpu.memory_space<vmem>> -> memref<128xi32, #tpu.memory_space<vmem>>
    %dma_start3A_276 = arith.constant 0 : i32
    %dma_start3A_277 = arith.constant 0 : i32
    %dma_start3A_278 = tpu.memref_slice %arg2[%dma_start3A_276, %dma_start3A_277] : memref<123x128xf32, #tpu.memory_space<hbm>> -> memref<123x128xf32, #tpu.memory_space<hbm>>
    tpu.enqueue_indirect_dma source(%dma_start3A_278 : memref<123x128xf32, #tpu.memory_space<hbm>>) target(%arg6 : memref<128x128xf32, #tpu.memory_space<vmem>>) offsets(%dma_start3A_275 : memref<128xi32, #tpu.memory_space<vmem>>) semaphore(%arg8 : memref<!tpu.dma_semaphore, #tpu.memory_space<semaphore_mem>>)
    %dma_wait3A_279 = arith.constant 11 : i32
    %dma_wait3A_280 = arith.constant 0 : i32
    %dma_wait3A_281 = tpu.memref_slice %arg5[%dma_wait3A_279, %dma_wait3A_280] : memref<20x128xi32, #tpu.memory_space<vmem>> -> memref<1x128xi32, #tpu.memory_space<vmem>>
    %dma_wait3A_282 = tpu.memref_squeeze %dma_wait3A_281 : memref<1x128xi32, #tpu.memory_space<vmem>> -> memref<128xi32, #tpu.memory_space<vmem>>
    %dma_wait3A_283 = arith.constant 0 : i32
    %dma_wait3A_284 = arith.constant 0 : i32
    %dma_wait3A_285 = tpu.memref_slice %arg2[%dma_wait3A_283, %dma_wait3A_284] : memref<123x128xf32, #tpu.memory_space<hbm>> -> memref<123x128xf32, #tpu.memory_space<hbm>>
    tpu.wait_indirect_dma semaphore(%arg9 : memref<!tpu.dma_semaphore, #tpu.memory_space<semaphore_mem>>) src(%dma_wait3A_285 : memref<123x128xf32, #tpu.memory_space<hbm>>) dst(%arg7 : memref<128x128xf32, #tpu.memory_space<vmem>>)
    %add3A_286 = arith.constant 1408 : i32
    %add3A_287 = arith.addi %mul3A_2, %add3A_286 : i32
    %dma_start3A_288 = arith.constant 0 : i32
    %dma_start3A_289 = tpu.memref_slice %arg4[%add3A_287, %dma_start3A_288] : memref<81920x128xf32, #tpu.memory_space<hbm>> -> memref<128x128xf32, #tpu.memory_space<hbm>>
    %dma_start3A_290 = arith.constant 0 : i32
    %dma_start3A_291 = tpu.memref_slice %arg4[%add3A_287, %dma_start3A_290] : memref<81920x128xf32, #tpu.memory_space<hbm>> -> memref<128x128xf32, #tpu.memory_space<hbm>>
    tpu.enqueue_dma source(%arg7 : memref<128x128xf32, #tpu.memory_space<vmem>>) target(%dma_start3A_291 : memref<128x128xf32, #tpu.memory_space<hbm>>) target_semaphore(%arg11 : memref<!tpu.dma_semaphore, #tpu.memory_space<semaphore_mem>>)
    %dma_wait3A_292 = arith.constant 0 : i32
    %dma_wait3A_293 = tpu.memref_slice %arg4[%add3A_287, %dma_wait3A_292] : memref<81920x128xf32, #tpu.memory_space<hbm>> -> memref<128x128xf32, #tpu.memory_space<hbm>>
    %dma_wait3A_294 = arith.constant 0 : i32
    %dma_wait3A_295 = tpu.memref_slice %arg4[%add3A_287, %dma_wait3A_294] : memref<81920x128xf32, #tpu.memory_space<hbm>> -> memref<128x128xf32, #tpu.memory_space<hbm>>
    tpu.wait_dma2 semaphore(%arg11 : memref<!tpu.dma_semaphore, #tpu.memory_space<semaphore_mem>>) src(%arg7 : memref<128x128xf32, #tpu.memory_space<vmem>>) dst(%dma_wait3A_295 : memref<128x128xf32, #tpu.memory_space<hbm>>)
    %dma_start3A_296 = arith.constant 13 : i32
    %dma_start3A_297 = arith.constant 0 : i32
    %dma_start3A_298 = tpu.memref_slice %arg5[%dma_start3A_296, %dma_start3A_297] : memref<20x128xi32, #tpu.memory_space<vmem>> -> memref<1x128xi32, #tpu.memory_space<vmem>>
    %dma_start3A_299 = tpu.memref_squeeze %dma_start3A_298 : memref<1x128xi32, #tpu.memory_space<vmem>> -> memref<128xi32, #tpu.memory_space<vmem>>
    %dma_start3A_300 = arith.constant 0 : i32
    %dma_start3A_301 = arith.constant 0 : i32
    %dma_start3A_302 = tpu.memref_slice %arg2[%dma_start3A_300, %dma_start3A_301] : memref<123x128xf32, #tpu.memory_space<hbm>> -> memref<123x128xf32, #tpu.memory_space<hbm>>
    tpu.enqueue_indirect_dma source(%dma_start3A_302 : memref<123x128xf32, #tpu.memory_space<hbm>>) target(%arg7 : memref<128x128xf32, #tpu.memory_space<vmem>>) offsets(%dma_start3A_299 : memref<128xi32, #tpu.memory_space<vmem>>) semaphore(%arg9 : memref<!tpu.dma_semaphore, #tpu.memory_space<semaphore_mem>>)
    %dma_wait3A_303 = arith.constant 12 : i32
    %dma_wait3A_304 = arith.constant 0 : i32
    %dma_wait3A_305 = tpu.memref_slice %arg5[%dma_wait3A_303, %dma_wait3A_304] : memref<20x128xi32, #tpu.memory_space<vmem>> -> memref<1x128xi32, #tpu.memory_space<vmem>>
    %dma_wait3A_306 = tpu.memref_squeeze %dma_wait3A_305 : memref<1x128xi32, #tpu.memory_space<vmem>> -> memref<128xi32, #tpu.memory_space<vmem>>
    %dma_wait3A_307 = arith.constant 0 : i32
    %dma_wait3A_308 = arith.constant 0 : i32
    %dma_wait3A_309 = tpu.memref_slice %arg2[%dma_wait3A_307, %dma_wait3A_308] : memref<123x128xf32, #tpu.memory_space<hbm>> -> memref<123x128xf32, #tpu.memory_space<hbm>>
    tpu.wait_indirect_dma semaphore(%arg8 : memref<!tpu.dma_semaphore, #tpu.memory_space<semaphore_mem>>) src(%dma_wait3A_309 : memref<123x128xf32, #tpu.memory_space<hbm>>) dst(%arg6 : memref<128x128xf32, #tpu.memory_space<vmem>>)
    %add3A_310 = arith.constant 1536 : i32
    %add3A_311 = arith.addi %mul3A_2, %add3A_310 : i32
    %dma_start3A_312 = arith.constant 0 : i32
    %dma_start3A_313 = tpu.memref_slice %arg4[%add3A_311, %dma_start3A_312] : memref<81920x128xf32, #tpu.memory_space<hbm>> -> memref<128x128xf32, #tpu.memory_space<hbm>>
    %dma_start3A_314 = arith.constant 0 : i32
    %dma_start3A_315 = tpu.memref_slice %arg4[%add3A_311, %dma_start3A_314] : memref<81920x128xf32, #tpu.memory_space<hbm>> -> memref<128x128xf32, #tpu.memory_space<hbm>>
    tpu.enqueue_dma source(%arg6 : memref<128x128xf32, #tpu.memory_space<vmem>>) target(%dma_start3A_315 : memref<128x128xf32, #tpu.memory_space<hbm>>) target_semaphore(%arg10 : memref<!tpu.dma_semaphore, #tpu.memory_space<semaphore_mem>>)
    %dma_wait3A_316 = arith.constant 0 : i32
    %dma_wait3A_317 = tpu.memref_slice %arg4[%add3A_311, %dma_wait3A_316] : memref<81920x128xf32, #tpu.memory_space<hbm>> -> memref<128x128xf32, #tpu.memory_space<hbm>>
    %dma_wait3A_318 = arith.constant 0 : i32
    %dma_wait3A_319 = tpu.memref_slice %arg4[%add3A_311, %dma_wait3A_318] : memref<81920x128xf32, #tpu.memory_space<hbm>> -> memref<128x128xf32, #tpu.memory_space<hbm>>
    tpu.wait_dma2 semaphore(%arg10 : memref<!tpu.dma_semaphore, #tpu.memory_space<semaphore_mem>>) src(%arg6 : memref<128x128xf32, #tpu.memory_space<vmem>>) dst(%dma_wait3A_319 : memref<128x128xf32, #tpu.memory_space<hbm>>)
    %dma_start3A_320 = arith.constant 14 : i32
    %dma_start3A_321 = arith.constant 0 : i32
    %dma_start3A_322 = tpu.memref_slice %arg5[%dma_start3A_320, %dma_start3A_321] : memref<20x128xi32, #tpu.memory_space<vmem>> -> memref<1x128xi32, #tpu.memory_space<vmem>>
    %dma_start3A_323 = tpu.memref_squeeze %dma_start3A_322 : memref<1x128xi32, #tpu.memory_space<vmem>> -> memref<128xi32, #tpu.memory_space<vmem>>
    %dma_start3A_324 = arith.constant 0 : i32
    %dma_start3A_325 = arith.constant 0 : i32
    %dma_start3A_326 = tpu.memref_slice %arg2[%dma_start3A_324, %dma_start3A_325] : memref<123x128xf32, #tpu.memory_space<hbm>> -> memref<123x128xf32, #tpu.memory_space<hbm>>
    tpu.enqueue_indirect_dma source(%dma_start3A_326 : memref<123x128xf32, #tpu.memory_space<hbm>>) target(%arg6 : memref<128x128xf32, #tpu.memory_space<vmem>>) offsets(%dma_start3A_323 : memref<128xi32, #tpu.memory_space<vmem>>) semaphore(%arg8 : memref<!tpu.dma_semaphore, #tpu.memory_space<semaphore_mem>>)
    %dma_wait3A_327 = arith.constant 13 : i32
    %dma_wait3A_328 = arith.constant 0 : i32
    %dma_wait3A_329 = tpu.memref_slice %arg5[%dma_wait3A_327, %dma_wait3A_328] : memref<20x128xi32, #tpu.memory_space<vmem>> -> memref<1x128xi32, #tpu.memory_space<vmem>>
    %dma_wait3A_330 = tpu.memref_squeeze %dma_wait3A_329 : memref<1x128xi32, #tpu.memory_space<vmem>> -> memref<128xi32, #tpu.memory_space<vmem>>
    %dma_wait3A_331 = arith.constant 0 : i32
    %dma_wait3A_332 = arith.constant 0 : i32
    %dma_wait3A_333 = tpu.memref_slice %arg2[%dma_wait3A_331, %dma_wait3A_332] : memref<123x128xf32, #tpu.memory_space<hbm>> -> memref<123x128xf32, #tpu.memory_space<hbm>>
    tpu.wait_indirect_dma semaphore(%arg9 : memref<!tpu.dma_semaphore, #tpu.memory_space<semaphore_mem>>) src(%dma_wait3A_333 : memref<123x128xf32, #tpu.memory_space<hbm>>) dst(%arg7 : memref<128x128xf32, #tpu.memory_space<vmem>>)
    %add3A_334 = arith.constant 1664 : i32
    %add3A_335 = arith.addi %mul3A_2, %add3A_334 : i32
    %dma_start3A_336 = arith.constant 0 : i32
    %dma_start3A_337 = tpu.memref_slice %arg4[%add3A_335, %dma_start3A_336] : memref<81920x128xf32, #tpu.memory_space<hbm>> -> memref<128x128xf32, #tpu.memory_space<hbm>>
    %dma_start3A_338 = arith.constant 0 : i32
    %dma_start3A_339 = tpu.memref_slice %arg4[%add3A_335, %dma_start3A_338] : memref<81920x128xf32, #tpu.memory_space<hbm>> -> memref<128x128xf32, #tpu.memory_space<hbm>>
    tpu.enqueue_dma source(%arg7 : memref<128x128xf32, #tpu.memory_space<vmem>>) target(%dma_start3A_339 : memref<128x128xf32, #tpu.memory_space<hbm>>) target_semaphore(%arg11 : memref<!tpu.dma_semaphore, #tpu.memory_space<semaphore_mem>>)
    %dma_wait3A_340 = arith.constant 0 : i32
    %dma_wait3A_341 = tpu.memref_slice %arg4[%add3A_335, %dma_wait3A_340] : memref<81920x128xf32, #tpu.memory_space<hbm>> -> memref<128x128xf32, #tpu.memory_space<hbm>>
    %dma_wait3A_342 = arith.constant 0 : i32
    %dma_wait3A_343 = tpu.memref_slice %arg4[%add3A_335, %dma_wait3A_342] : memref<81920x128xf32, #tpu.memory_space<hbm>> -> memref<128x128xf32, #tpu.memory_space<hbm>>
    tpu.wait_dma2 semaphore(%arg11 : memref<!tpu.dma_semaphore, #tpu.memory_space<semaphore_mem>>) src(%arg7 : memref<128x128xf32, #tpu.memory_space<vmem>>) dst(%dma_wait3A_343 : memref<128x128xf32, #tpu.memory_space<hbm>>)
    %dma_start3A_344 = arith.constant 15 : i32
    %dma_start3A_345 = arith.constant 0 : i32
    %dma_start3A_346 = tpu.memref_slice %arg5[%dma_start3A_344, %dma_start3A_345] : memref<20x128xi32, #tpu.memory_space<vmem>> -> memref<1x128xi32, #tpu.memory_space<vmem>>
    %dma_start3A_347 = tpu.memref_squeeze %dma_start3A_346 : memref<1x128xi32, #tpu.memory_space<vmem>> -> memref<128xi32, #tpu.memory_space<vmem>>
    %dma_start3A_348 = arith.constant 0 : i32
    %dma_start3A_349 = arith.constant 0 : i32
    %dma_start3A_350 = tpu.memref_slice %arg2[%dma_start3A_348, %dma_start3A_349] : memref<123x128xf32, #tpu.memory_space<hbm>> -> memref<123x128xf32, #tpu.memory_space<hbm>>
    tpu.enqueue_indirect_dma source(%dma_start3A_350 : memref<123x128xf32, #tpu.memory_space<hbm>>) target(%arg7 : memref<128x128xf32, #tpu.memory_space<vmem>>) offsets(%dma_start3A_347 : memref<128xi32, #tpu.memory_space<vmem>>) semaphore(%arg9 : memref<!tpu.dma_semaphore, #tpu.memory_space<semaphore_mem>>)
    %dma_wait3A_351 = arith.constant 14 : i32
    %dma_wait3A_352 = arith.constant 0 : i32
    %dma_wait3A_353 = tpu.memref_slice %arg5[%dma_wait3A_351, %dma_wait3A_352] : memref<20x128xi32, #tpu.memory_space<vmem>> -> memref<1x128xi32, #tpu.memory_space<vmem>>
    %dma_wait3A_354 = tpu.memref_squeeze %dma_wait3A_353 : memref<1x128xi32, #tpu.memory_space<vmem>> -> memref<128xi32, #tpu.memory_space<vmem>>
    %dma_wait3A_355 = arith.constant 0 : i32
    %dma_wait3A_356 = arith.constant 0 : i32
    %dma_wait3A_357 = tpu.memref_slice %arg2[%dma_wait3A_355, %dma_wait3A_356] : memref<123x128xf32, #tpu.memory_space<hbm>> -> memref<123x128xf32, #tpu.memory_space<hbm>>
    tpu.wait_indirect_dma semaphore(%arg8 : memref<!tpu.dma_semaphore, #tpu.memory_space<semaphore_mem>>) src(%dma_wait3A_357 : memref<123x128xf32, #tpu.memory_space<hbm>>) dst(%arg6 : memref<128x128xf32, #tpu.memory_space<vmem>>)
    %add3A_358 = arith.constant 1792 : i32
    %add3A_359 = arith.addi %mul3A_2, %add3A_358 : i32
    %dma_start3A_360 = arith.constant 0 : i32
    %dma_start3A_361 = tpu.memref_slice %arg4[%add3A_359, %dma_start3A_360] : memref<81920x128xf32, #tpu.memory_space<hbm>> -> memref<128x128xf32, #tpu.memory_space<hbm>>
    %dma_start3A_362 = arith.constant 0 : i32
    %dma_start3A_363 = tpu.memref_slice %arg4[%add3A_359, %dma_start3A_362] : memref<81920x128xf32, #tpu.memory_space<hbm>> -> memref<128x128xf32, #tpu.memory_space<hbm>>
    tpu.enqueue_dma source(%arg6 : memref<128x128xf32, #tpu.memory_space<vmem>>) target(%dma_start3A_363 : memref<128x128xf32, #tpu.memory_space<hbm>>) target_semaphore(%arg10 : memref<!tpu.dma_semaphore, #tpu.memory_space<semaphore_mem>>)
    %dma_wait3A_364 = arith.constant 0 : i32
    %dma_wait3A_365 = tpu.memref_slice %arg4[%add3A_359, %dma_wait3A_364] : memref<81920x128xf32, #tpu.memory_space<hbm>> -> memref<128x128xf32, #tpu.memory_space<hbm>>
    %dma_wait3A_366 = arith.constant 0 : i32
    %dma_wait3A_367 = tpu.memref_slice %arg4[%add3A_359, %dma_wait3A_366] : memref<81920x128xf32, #tpu.memory_space<hbm>> -> memref<128x128xf32, #tpu.memory_space<hbm>>
    tpu.wait_dma2 semaphore(%arg10 : memref<!tpu.dma_semaphore, #tpu.memory_space<semaphore_mem>>) src(%arg6 : memref<128x128xf32, #tpu.memory_space<vmem>>) dst(%dma_wait3A_367 : memref<128x128xf32, #tpu.memory_space<hbm>>)
    %dma_start3A_368 = arith.constant 16 : i32
    %dma_start3A_369 = arith.constant 0 : i32
    %dma_start3A_370 = tpu.memref_slice %arg5[%dma_start3A_368, %dma_start3A_369] : memref<20x128xi32, #tpu.memory_space<vmem>> -> memref<1x128xi32, #tpu.memory_space<vmem>>
    %dma_start3A_371 = tpu.memref_squeeze %dma_start3A_370 : memref<1x128xi32, #tpu.memory_space<vmem>> -> memref<128xi32, #tpu.memory_space<vmem>>
    %dma_start3A_372 = arith.constant 0 : i32
    %dma_start3A_373 = arith.constant 0 : i32
    %dma_start3A_374 = tpu.memref_slice %arg2[%dma_start3A_372, %dma_start3A_373] : memref<123x128xf32, #tpu.memory_space<hbm>> -> memref<123x128xf32, #tpu.memory_space<hbm>>
    tpu.enqueue_indirect_dma source(%dma_start3A_374 : memref<123x128xf32, #tpu.memory_space<hbm>>) target(%arg6 : memref<128x128xf32, #tpu.memory_space<vmem>>) offsets(%dma_start3A_371 : memref<128xi32, #tpu.memory_space<vmem>>) semaphore(%arg8 : memref<!tpu.dma_semaphore, #tpu.memory_space<semaphore_mem>>)
    %dma_wait3A_375 = arith.constant 15 : i32
    %dma_wait3A_376 = arith.constant 0 : i32
    %dma_wait3A_377 = tpu.memref_slice %arg5[%dma_wait3A_375, %dma_wait3A_376] : memref<20x128xi32, #tpu.memory_space<vmem>> -> memref<1x128xi32, #tpu.memory_space<vmem>>
    %dma_wait3A_378 = tpu.memref_squeeze %dma_wait3A_377 : memref<1x128xi32, #tpu.memory_space<vmem>> -> memref<128xi32, #tpu.memory_space<vmem>>
    %dma_wait3A_379 = arith.constant 0 : i32
    %dma_wait3A_380 = arith.constant 0 : i32
    %dma_wait3A_381 = tpu.memref_slice %arg2[%dma_wait3A_379, %dma_wait3A_380] : memref<123x128xf32, #tpu.memory_space<hbm>> -> memref<123x128xf32, #tpu.memory_space<hbm>>
    tpu.wait_indirect_dma semaphore(%arg9 : memref<!tpu.dma_semaphore, #tpu.memory_space<semaphore_mem>>) src(%dma_wait3A_381 : memref<123x128xf32, #tpu.memory_space<hbm>>) dst(%arg7 : memref<128x128xf32, #tpu.memory_space<vmem>>)
    %add3A_382 = arith.constant 1920 : i32
    %add3A_383 = arith.addi %mul3A_2, %add3A_382 : i32
    %dma_start3A_384 = arith.constant 0 : i32
    %dma_start3A_385 = tpu.memref_slice %arg4[%add3A_383, %dma_start3A_384] : memref<81920x128xf32, #tpu.memory_space<hbm>> -> memref<128x128xf32, #tpu.memory_space<hbm>>
    %dma_start3A_386 = arith.constant 0 : i32
    %dma_start3A_387 = tpu.memref_slice %arg4[%add3A_383, %dma_start3A_386] : memref<81920x128xf32, #tpu.memory_space<hbm>> -> memref<128x128xf32, #tpu.memory_space<hbm>>
    tpu.enqueue_dma source(%arg7 : memref<128x128xf32, #tpu.memory_space<vmem>>) target(%dma_start3A_387 : memref<128x128xf32, #tpu.memory_space<hbm>>) target_semaphore(%arg11 : memref<!tpu.dma_semaphore, #tpu.memory_space<semaphore_mem>>)
    %dma_wait3A_388 = arith.constant 0 : i32
    %dma_wait3A_389 = tpu.memref_slice %arg4[%add3A_383, %dma_wait3A_388] : memref<81920x128xf32, #tpu.memory_space<hbm>> -> memref<128x128xf32, #tpu.memory_space<hbm>>
    %dma_wait3A_390 = arith.constant 0 : i32
    %dma_wait3A_391 = tpu.memref_slice %arg4[%add3A_383, %dma_wait3A_390] : memref<81920x128xf32, #tpu.memory_space<hbm>> -> memref<128x128xf32, #tpu.memory_space<hbm>>
    tpu.wait_dma2 semaphore(%arg11 : memref<!tpu.dma_semaphore, #tpu.memory_space<semaphore_mem>>) src(%arg7 : memref<128x128xf32, #tpu.memory_space<vmem>>) dst(%dma_wait3A_391 : memref<128x128xf32, #tpu.memory_space<hbm>>)
    %dma_start3A_392 = arith.constant 17 : i32
    %dma_start3A_393 = arith.constant 0 : i32
    %dma_start3A_394 = tpu.memref_slice %arg5[%dma_start3A_392, %dma_start3A_393] : memref<20x128xi32, #tpu.memory_space<vmem>> -> memref<1x128xi32, #tpu.memory_space<vmem>>
    %dma_start3A_395 = tpu.memref_squeeze %dma_start3A_394 : memref<1x128xi32, #tpu.memory_space<vmem>> -> memref<128xi32, #tpu.memory_space<vmem>>
    %dma_start3A_396 = arith.constant 0 : i32
    %dma_start3A_397 = arith.constant 0 : i32
    %dma_start3A_398 = tpu.memref_slice %arg2[%dma_start3A_396, %dma_start3A_397] : memref<123x128xf32, #tpu.memory_space<hbm>> -> memref<123x128xf32, #tpu.memory_space<hbm>>
    tpu.enqueue_indirect_dma source(%dma_start3A_398 : memref<123x128xf32, #tpu.memory_space<hbm>>) target(%arg7 : memref<128x128xf32, #tpu.memory_space<vmem>>) offsets(%dma_start3A_395 : memref<128xi32, #tpu.memory_space<vmem>>) semaphore(%arg9 : memref<!tpu.dma_semaphore, #tpu.memory_space<semaphore_mem>>)
    %dma_wait3A_399 = arith.constant 16 : i32
    %dma_wait3A_400 = arith.constant 0 : i32
    %dma_wait3A_401 = tpu.memref_slice %arg5[%dma_wait3A_399, %dma_wait3A_400] : memref<20x128xi32, #tpu.memory_space<vmem>> -> memref<1x128xi32, #tpu.memory_space<vmem>>
    %dma_wait3A_402 = tpu.memref_squeeze %dma_wait3A_401 : memref<1x128xi32, #tpu.memory_space<vmem>> -> memref<128xi32, #tpu.memory_space<vmem>>
    %dma_wait3A_403 = arith.constant 0 : i32
    %dma_wait3A_404 = arith.constant 0 : i32
    %dma_wait3A_405 = tpu.memref_slice %arg2[%dma_wait3A_403, %dma_wait3A_404] : memref<123x128xf32, #tpu.memory_space<hbm>> -> memref<123x128xf32, #tpu.memory_space<hbm>>
    tpu.wait_indirect_dma semaphore(%arg8 : memref<!tpu.dma_semaphore, #tpu.memory_space<semaphore_mem>>) src(%dma_wait3A_405 : memref<123x128xf32, #tpu.memory_space<hbm>>) dst(%arg6 : memref<128x128xf32, #tpu.memory_space<vmem>>)
    %add3A_406 = arith.constant 2048 : i32
    %add3A_407 = arith.addi %mul3A_2, %add3A_406 : i32
    %dma_start3A_408 = arith.constant 0 : i32
    %dma_start3A_409 = tpu.memref_slice %arg4[%add3A_407, %dma_start3A_408] : memref<81920x128xf32, #tpu.memory_space<hbm>> -> memref<128x128xf32, #tpu.memory_space<hbm>>
    %dma_start3A_410 = arith.constant 0 : i32
    %dma_start3A_411 = tpu.memref_slice %arg4[%add3A_407, %dma_start3A_410] : memref<81920x128xf32, #tpu.memory_space<hbm>> -> memref<128x128xf32, #tpu.memory_space<hbm>>
    tpu.enqueue_dma source(%arg6 : memref<128x128xf32, #tpu.memory_space<vmem>>) target(%dma_start3A_411 : memref<128x128xf32, #tpu.memory_space<hbm>>) target_semaphore(%arg10 : memref<!tpu.dma_semaphore, #tpu.memory_space<semaphore_mem>>)
    %dma_wait3A_412 = arith.constant 0 : i32
    %dma_wait3A_413 = tpu.memref_slice %arg4[%add3A_407, %dma_wait3A_412] : memref<81920x128xf32, #tpu.memory_space<hbm>> -> memref<128x128xf32, #tpu.memory_space<hbm>>
    %dma_wait3A_414 = arith.constant 0 : i32
    %dma_wait3A_415 = tpu.memref_slice %arg4[%add3A_407, %dma_wait3A_414] : memref<81920x128xf32, #tpu.memory_space<hbm>> -> memref<128x128xf32, #tpu.memory_space<hbm>>
    tpu.wait_dma2 semaphore(%arg10 : memref<!tpu.dma_semaphore, #tpu.memory_space<semaphore_mem>>) src(%arg6 : memref<128x128xf32, #tpu.memory_space<vmem>>) dst(%dma_wait3A_415 : memref<128x128xf32, #tpu.memory_space<hbm>>)
    %dma_start3A_416 = arith.constant 18 : i32
    %dma_start3A_417 = arith.constant 0 : i32
    %dma_start3A_418 = tpu.memref_slice %arg5[%dma_start3A_416, %dma_start3A_417] : memref<20x128xi32, #tpu.memory_space<vmem>> -> memref<1x128xi32, #tpu.memory_space<vmem>>
    %dma_start3A_419 = tpu.memref_squeeze %dma_start3A_418 : memref<1x128xi32, #tpu.memory_space<vmem>> -> memref<128xi32, #tpu.memory_space<vmem>>
    %dma_start3A_420 = arith.constant 0 : i32
    %dma_start3A_421 = arith.constant 0 : i32
    %dma_start3A_422 = tpu.memref_slice %arg2[%dma_start3A_420, %dma_start3A_421] : memref<123x128xf32, #tpu.memory_space<hbm>> -> memref<123x128xf32, #tpu.memory_space<hbm>>
    tpu.enqueue_indirect_dma source(%dma_start3A_422 : memref<123x128xf32, #tpu.memory_space<hbm>>) target(%arg6 : memref<128x128xf32, #tpu.memory_space<vmem>>) offsets(%dma_start3A_419 : memref<128xi32, #tpu.memory_space<vmem>>) semaphore(%arg8 : memref<!tpu.dma_semaphore, #tpu.memory_space<semaphore_mem>>)
    %dma_wait3A_423 = arith.constant 17 : i32
    %dma_wait3A_424 = arith.constant 0 : i32
    %dma_wait3A_425 = tpu.memref_slice %arg5[%dma_wait3A_423, %dma_wait3A_424] : memref<20x128xi32, #tpu.memory_space<vmem>> -> memref<1x128xi32, #tpu.memory_space<vmem>>
    %dma_wait3A_426 = tpu.memref_squeeze %dma_wait3A_425 : memref<1x128xi32, #tpu.memory_space<vmem>> -> memref<128xi32, #tpu.memory_space<vmem>>
    %dma_wait3A_427 = arith.constant 0 : i32
    %dma_wait3A_428 = arith.constant 0 : i32
    %dma_wait3A_429 = tpu.memref_slice %arg2[%dma_wait3A_427, %dma_wait3A_428] : memref<123x128xf32, #tpu.memory_space<hbm>> -> memref<123x128xf32, #tpu.memory_space<hbm>>
    tpu.wait_indirect_dma semaphore(%arg9 : memref<!tpu.dma_semaphore, #tpu.memory_space<semaphore_mem>>) src(%dma_wait3A_429 : memref<123x128xf32, #tpu.memory_space<hbm>>) dst(%arg7 : memref<128x128xf32, #tpu.memory_space<vmem>>)
    %add3A_430 = arith.constant 2176 : i32
    %add3A_431 = arith.addi %mul3A_2, %add3A_430 : i32
    %dma_start3A_432 = arith.constant 0 : i32
    %dma_start3A_433 = tpu.memref_slice %arg4[%add3A_431, %dma_start3A_432] : memref<81920x128xf32, #tpu.memory_space<hbm>> -> memref<128x128xf32, #tpu.memory_space<hbm>>
    %dma_start3A_434 = arith.constant 0 : i32
    %dma_start3A_435 = tpu.memref_slice %arg4[%add3A_431, %dma_start3A_434] : memref<81920x128xf32, #tpu.memory_space<hbm>> -> memref<128x128xf32, #tpu.memory_space<hbm>>
    tpu.enqueue_dma source(%arg7 : memref<128x128xf32, #tpu.memory_space<vmem>>) target(%dma_start3A_435 : memref<128x128xf32, #tpu.memory_space<hbm>>) target_semaphore(%arg11 : memref<!tpu.dma_semaphore, #tpu.memory_space<semaphore_mem>>)
    %dma_wait3A_436 = arith.constant 0 : i32
    %dma_wait3A_437 = tpu.memref_slice %arg4[%add3A_431, %dma_wait3A_436] : memref<81920x128xf32, #tpu.memory_space<hbm>> -> memref<128x128xf32, #tpu.memory_space<hbm>>
    %dma_wait3A_438 = arith.constant 0 : i32
    %dma_wait3A_439 = tpu.memref_slice %arg4[%add3A_431, %dma_wait3A_438] : memref<81920x128xf32, #tpu.memory_space<hbm>> -> memref<128x128xf32, #tpu.memory_space<hbm>>
    tpu.wait_dma2 semaphore(%arg11 : memref<!tpu.dma_semaphore, #tpu.memory_space<semaphore_mem>>) src(%arg7 : memref<128x128xf32, #tpu.memory_space<vmem>>) dst(%dma_wait3A_439 : memref<128x128xf32, #tpu.memory_space<hbm>>)
    %dma_start3A_440 = arith.constant 19 : i32
    %dma_start3A_441 = arith.constant 0 : i32
    %dma_start3A_442 = tpu.memref_slice %arg5[%dma_start3A_440, %dma_start3A_441] : memref<20x128xi32, #tpu.memory_space<vmem>> -> memref<1x128xi32, #tpu.memory_space<vmem>>
    %dma_start3A_443 = tpu.memref_squeeze %dma_start3A_442 : memref<1x128xi32, #tpu.memory_space<vmem>> -> memref<128xi32, #tpu.memory_space<vmem>>
    %dma_start3A_444 = arith.constant 0 : i32
    %dma_start3A_445 = arith.constant 0 : i32
    %dma_start3A_446 = tpu.memref_slice %arg2[%dma_start3A_444, %dma_start3A_445] : memref<123x128xf32, #tpu.memory_space<hbm>> -> memref<123x128xf32, #tpu.memory_space<hbm>>
    tpu.enqueue_indirect_dma source(%dma_start3A_446 : memref<123x128xf32, #tpu.memory_space<hbm>>) target(%arg7 : memref<128x128xf32, #tpu.memory_space<vmem>>) offsets(%dma_start3A_443 : memref<128xi32, #tpu.memory_space<vmem>>) semaphore(%arg9 : memref<!tpu.dma_semaphore, #tpu.memory_space<semaphore_mem>>)
    %dma_wait3A_447 = arith.constant 18 : i32
    %dma_wait3A_448 = arith.constant 0 : i32
    %dma_wait3A_449 = tpu.memref_slice %arg5[%dma_wait3A_447, %dma_wait3A_448] : memref<20x128xi32, #tpu.memory_space<vmem>> -> memref<1x128xi32, #tpu.memory_space<vmem>>
    %dma_wait3A_450 = tpu.memref_squeeze %dma_wait3A_449 : memref<1x128xi32, #tpu.memory_space<vmem>> -> memref<128xi32, #tpu.memory_space<vmem>>
    %dma_wait3A_451 = arith.constant 0 : i32
    %dma_wait3A_452 = arith.constant 0 : i32
    %dma_wait3A_453 = tpu.memref_slice %arg2[%dma_wait3A_451, %dma_wait3A_452] : memref<123x128xf32, #tpu.memory_space<hbm>> -> memref<123x128xf32, #tpu.memory_space<hbm>>
    tpu.wait_indirect_dma semaphore(%arg8 : memref<!tpu.dma_semaphore, #tpu.memory_space<semaphore_mem>>) src(%dma_wait3A_453 : memref<123x128xf32, #tpu.memory_space<hbm>>) dst(%arg6 : memref<128x128xf32, #tpu.memory_space<vmem>>)
    %add3A_454 = arith.constant 2304 : i32
    %add3A_455 = arith.addi %mul3A_2, %add3A_454 : i32
    %dma_start3A_456 = arith.constant 0 : i32
    %dma_start3A_457 = tpu.memref_slice %arg4[%add3A_455, %dma_start3A_456] : memref<81920x128xf32, #tpu.memory_space<hbm>> -> memref<128x128xf32, #tpu.memory_space<hbm>>
    %dma_start3A_458 = arith.constant 0 : i32
    %dma_start3A_459 = tpu.memref_slice %arg4[%add3A_455, %dma_start3A_458] : memref<81920x128xf32, #tpu.memory_space<hbm>> -> memref<128x128xf32, #tpu.memory_space<hbm>>
    tpu.enqueue_dma source(%arg6 : memref<128x128xf32, #tpu.memory_space<vmem>>) target(%dma_start3A_459 : memref<128x128xf32, #tpu.memory_space<hbm>>) target_semaphore(%arg10 : memref<!tpu.dma_semaphore, #tpu.memory_space<semaphore_mem>>)
    %dma_wait3A_460 = arith.constant 19 : i32
    %dma_wait3A_461 = arith.constant 0 : i32
    %dma_wait3A_462 = tpu.memref_slice %arg5[%dma_wait3A_460, %dma_wait3A_461] : memref<20x128xi32, #tpu.memory_space<vmem>> -> memref<1x128xi32, #tpu.memory_space<vmem>>
    %dma_wait3A_463 = tpu.memref_squeeze %dma_wait3A_462 : memref<1x128xi32, #tpu.memory_space<vmem>> -> memref<128xi32, #tpu.memory_space<vmem>>
    %dma_wait3A_464 = arith.constant 0 : i32
    %dma_wait3A_465 = arith.constant 0 : i32
    %dma_wait3A_466 = tpu.memref_slice %arg2[%dma_wait3A_464, %dma_wait3A_465] : memref<123x128xf32, #tpu.memory_space<hbm>> -> memref<123x128xf32, #tpu.memory_space<hbm>>
    tpu.wait_indirect_dma semaphore(%arg9 : memref<!tpu.dma_semaphore, #tpu.memory_space<semaphore_mem>>) src(%dma_wait3A_466 : memref<123x128xf32, #tpu.memory_space<hbm>>) dst(%arg7 : memref<128x128xf32, #tpu.memory_space<vmem>>)
    %add3A_467 = arith.constant 2432 : i32
    %add3A_468 = arith.addi %mul3A_2, %add3A_467 : i32
    %dma_start3A_469 = arith.constant 0 : i32
    %dma_start3A_470 = tpu.memref_slice %arg4[%add3A_468, %dma_start3A_469] : memref<81920x128xf32, #tpu.memory_space<hbm>> -> memref<128x128xf32, #tpu.memory_space<hbm>>
    %dma_start3A_471 = arith.constant 0 : i32
    %dma_start3A_472 = tpu.memref_slice %arg4[%add3A_468, %dma_start3A_471] : memref<81920x128xf32, #tpu.memory_space<hbm>> -> memref<128x128xf32, #tpu.memory_space<hbm>>
    tpu.enqueue_dma source(%arg7 : memref<128x128xf32, #tpu.memory_space<vmem>>) target(%dma_start3A_472 : memref<128x128xf32, #tpu.memory_space<hbm>>) target_semaphore(%arg11 : memref<!tpu.dma_semaphore, #tpu.memory_space<semaphore_mem>>)
    %dma_wait3A_473 = arith.constant 0 : i32
    %dma_wait3A_474 = tpu.memref_slice %arg4[%add3A_455, %dma_wait3A_473] : memref<81920x128xf32, #tpu.memory_space<hbm>> -> memref<128x128xf32, #tpu.memory_space<hbm>>
    %dma_wait3A_475 = arith.constant 0 : i32
    %dma_wait3A_476 = tpu.memref_slice %arg4[%add3A_455, %dma_wait3A_475] : memref<81920x128xf32, #tpu.memory_space<hbm>> -> memref<128x128xf32, #tpu.memory_space<hbm>>
    tpu.wait_dma2 semaphore(%arg10 : memref<!tpu.dma_semaphore, #tpu.memory_space<semaphore_mem>>) src(%arg6 : memref<128x128xf32, #tpu.memory_space<vmem>>) dst(%dma_wait3A_476 : memref<128x128xf32, #tpu.memory_space<hbm>>)
    %dma_wait3A_477 = arith.constant 0 : i32
    %dma_wait3A_478 = tpu.memref_slice %arg4[%add3A_468, %dma_wait3A_477] : memref<81920x128xf32, #tpu.memory_space<hbm>> -> memref<128x128xf32, #tpu.memory_space<hbm>>
    %dma_wait3A_479 = arith.constant 0 : i32
    %dma_wait3A_480 = tpu.memref_slice %arg4[%add3A_468, %dma_wait3A_479] : memref<81920x128xf32, #tpu.memory_space<hbm>> -> memref<128x128xf32, #tpu.memory_space<hbm>>
    tpu.wait_dma2 semaphore(%arg11 : memref<!tpu.dma_semaphore, #tpu.memory_space<semaphore_mem>>) src(%arg7 : memref<128x128xf32, #tpu.memory_space<vmem>>) dst(%dma_wait3A_480 : memref<128x128xf32, #tpu.memory_space<hbm>>)
    return
  }
}

module attributes {stable_mosaic.version = 14 : i64} {
  func.func @_table_body(%arg0: memref<123x1000xf32, #tpu.memory_space<vmem>>, %arg1: memref<1000x1000xf32, #tpu.memory_space<vmem>>, %arg2: memref<1x1000xf32, #tpu.memory_space<vmem>>, %arg3: memref<1000x128xf32, #tpu.memory_space<vmem>>, %arg4: memref<1x128xf32, #tpu.memory_space<vmem>>, %arg5: memref<123x128xf32, #tpu.memory_space<vmem>>) attributes {dimension_semantics = [], scalar_prefetch = 0 : i64, scratch_operands = 0 : i64, tpu.core_type = #tpu.core_type<tc>} {
    %get3A = arith.constant 0 : index
    %get3A_0 = arith.constant 0 : index
    %get3A_1 = vector.load %arg0[%get3A, %get3A_0] : memref<123x1000xf32, #tpu.memory_space<vmem>>, vector<123x1000xf32>
    %max3A = arith.constant 0.000000e+00 : f32
    %max3A_2 = vector.broadcast %max3A : f32 to vector<123x1000xf32>
    %max3A_3 = arith.maximumf %get3A_1, %max3A_2 : vector<123x1000xf32>
    %get3A_4 = arith.constant 0 : index
    %get3A_5 = arith.constant 0 : index
    %get3A_6 = vector.load %arg1[%get3A_4, %get3A_5] : memref<1000x1000xf32, #tpu.memory_space<vmem>>, vector<1000x1000xf32>
    %dot_general3A = arith.constant dense<0.000000e+00> : vector<123x1000xf32>
    %dot_general3A_7 = tpu.matmul %max3A_3, %get3A_6, %dot_general3A {dimension_numbers = #tpu.dot_dimension_numbers<[1], [0], [0], [1], [0, 0, 1, 1], [], []>, transpose_lhs_hint = false} : vector<123x1000xf32>, vector<1000x1000xf32>, vector<123x1000xf32> -> vector<123x1000xf32>
    %get3A_8 = arith.constant 0 : index
    %get3A_9 = arith.constant 0 : index
    %get3A_10 = vector.load %arg2[%get3A_8, %get3A_9] : memref<1x1000xf32, #tpu.memory_space<vmem>>, vector<1x1000xf32>
    %add3A = vector.broadcast %get3A_10 : vector<1x1000xf32> to vector<123x1000xf32>
    %add3A_11 = arith.addf %dot_general3A_7, %add3A : vector<123x1000xf32>
    %max3A_12 = arith.constant 0.000000e+00 : f32
    %max3A_13 = vector.broadcast %max3A_12 : f32 to vector<123x1000xf32>
    %max3A_14 = arith.maximumf %add3A_11, %max3A_13 : vector<123x1000xf32>
    %get3A_15 = arith.constant 0 : index
    %get3A_16 = arith.constant 0 : index
    %get3A_17 = vector.load %arg3[%get3A_15, %get3A_16] : memref<1000x128xf32, #tpu.memory_space<vmem>>, vector<1000x128xf32>
    %dot_general3A_18 = arith.constant dense<0.000000e+00> : vector<123x128xf32>
    %dot_general3A_19 = tpu.matmul %max3A_14, %get3A_17, %dot_general3A_18 {dimension_numbers = #tpu.dot_dimension_numbers<[1], [0], [0], [1], [0, 0, 1, 1], [], []>, transpose_lhs_hint = false} : vector<123x1000xf32>, vector<1000x128xf32>, vector<123x128xf32> -> vector<123x128xf32>
    %get3A_20 = arith.constant 0 : index
    %get3A_21 = arith.constant 0 : index
    %get3A_22 = vector.load %arg4[%get3A_20, %get3A_21] : memref<1x128xf32, #tpu.memory_space<vmem>>, vector<1x128xf32>
    %add3A_23 = vector.broadcast %get3A_22 : vector<1x128xf32> to vector<123x128xf32>
    %add3A_24 = arith.addf %dot_general3A_19, %add3A_23 : vector<123x128xf32>
    %swap3A = arith.constant 0 : index
    %swap3A_25 = arith.constant 0 : index
    %swap3A_26 = vector.load %arg5[%swap3A, %swap3A_25] : memref<123x128xf32, #tpu.memory_space<vmem>>, vector<123x128xf32>
    tpu.vector_store %arg5[%swap3A, %swap3A_25], %add3A_24 {strides = array<i32>} : memref<123x128xf32, #tpu.memory_space<vmem>>, vector<123x128xf32>,
    return
  }
}

</mosaic_0001>

<sc_bundles>
// kernel: kernel.4.cloned.1.call-start
scs
__scs_entry_jumppad:
0x0: {  	(pc) =	sbr.rel $0x88, $3  }
0x1: {  	(tag) =	ssettag $0x0;
	lr =	simm.s32 $0x1  }
0x2: {  	[smem:$0x3F9B] =	sst lr;
	_ =	strace $0xD0000000  }
0x3: {  	_ = 	snop  }
0x4: {  	_ = 	snop  }
0x5: {  	_ = 	snop  }
0x6: {  	_ = 	snop  }
0x7: {  	_ = 	snop  }
__scs_overlays_trampoline_lowered:
0x8: {  	[smem:$0x3FAA] =	sst s0  }
0x9: {  	[smem:$0x3FAB] =	sst s1  }
0xa: {  	[smem:$0x3FAC] =	sst s2  }
0xb: {  	[smem:$0x3FAD] =	sst s3  }
0xc: {  	[smem:$0x3FAE] =	sst s4  }
0xd: {  	[smem:$0x3FAF] =	sst s5  }
0xe: {  	[smem:$0x3FB0] =	sst s6  }
0xf: {  	[smem:$0x3FB1] =	sst s7  }
0x10: {  	[smem:$0x3FB2] =	sst s8  }
0x11: {  	[smem:$0x3FB3] =	sst s9;
	s0 =	simm.s32 @!p0 $0x0  }
0x12: {  	s1 =	sld [smem:$0x3F99];
	s0 =	simm.s32 @p0 $0x1  }
0x13: {  	[smem:$0x3FB4] =	sst s0;
	s0 =	simm.s32 @!p1 $0x0  }
0x14: {  	s2 =	sld [smem:$0x3F98];
	s0 =	simm.s32 @p1 $0x1  }
0x15: {  	[smem:$0x3FB5] =	sst s0;
	s0 =	simm.s32 @!p2 $0x0  }
0x16: {  	s3 =	sld [smem:$0x3FDB];
	s0 =	simm.s32 @p2 $0x1  }
0x17: {  	s4 =	simm.s32 $0x1BF5;
	[smem:$0x3FB7] =	sst s0  }
0x18: {  	s0 =	sld [smem:$0x3F9A];
	_ =	swait.ge [sflag:s4], $0x0  }
0x19: {  	s7 =	sld [smem:$0x3F9B]  }
0x1a: {  	s8 =	sadd.s32 $0xFFFFE003, lr  }
0x1b: {  	s9 =	sadd.s32 $0xFFFFFEF7, lr;
	s5 =	simm.s32 $0xFFFFFFFF;
	p2 =	slt.u32 s8, $0xFFFFF086  }
0x1c: {  	p1 =	slt.u32 s9, $0xF7A;
	s5 =	simm.s32 @!p2 $0x0  }
0x1d: {  	s5 =	simm.s32 @p1 $0x1;
	p0 =	seq.s32 s7, s2  }
0x1e: {  	s7 =	smul.u32 @!p0 $0xF7A, s2;
	p2 =	seq.s32 @!p0 s5, $0x0  }
0x1f: {  	s9 =	smul.u32 $0xF7A, s1;
	s8 =	simm.s32 @!p0 $0x1BF5;
	p2 =	por !p2, p0  }
0x20: {  	[sflag:s8] =	ssyncset.s32 @!p0 $0xFFFFF086;
	s6 =	sadd.s32 @!p0 s3, s7;
	s7 =	simm.s32 @!p0 $0x108  }
0x21: {  	s3 =	sadd.s32 s3, s9;
	s6 =	sadd.s32 @!p0 $0x88, s6;
	s7 =	simm.s32 @p2 $0x1082  }
0x22: {  	[simem:s7], [sflag:s8] =	dma.local @!p0 [hbm:s6], $0xF7A  }
0x23: {  	s9 =	sor.u32 $0xD0000000, s2;
	s6 =	simm.s32 $0x108;
	_ =	swait.ge @!p0 [sflag:s8], $0x0  }
0x24: {  	s3 =	sadd.s32 $0x88, s3;
	s6 =	simm.s32 @!p1 $0x1082;
	[sflag:s4] =	ssyncset.s32 $0xFFFFF086  }
0x25: {  	[simem:s6], [sflag:s4] =	dma.local [hbm:s3], $0xF7A  }
0x26: {  	[smem:$0x3F9B] =	sst s1;
	(tag) =	ssettag s2;
	_ =	strace s9  }
0x27: {  	s1 =	sld [smem:$0x3FAB]  }
0x28: {  	s2 =	sld [smem:$0x3FAC]  }
0x29: {  	s4 =	sld [smem:$0x3FAE]  }
0x2a: {  	p0 =	seq.s32 s5, $0x0;
	s5 =	sld [smem:$0x3FAF]  }
0x2b: {  	s6 =	sld [smem:$0x3FB0]  }
0x2c: {  	s7 =	sld [smem:$0x3FB1]  }
0x2d: {  	s3 =	simm.s32 $0x108;
	s8 =	sld [smem:$0x3FB2]  }
0x2e: {  	s3 =	simm.s32 @!p0 $0x1082;
	s9 =	sld [smem:$0x3FB3]  }
0x2f: {  	lr =	sadd.s32 s0, s3;
	s0 =	sld [smem:$0x3FAA]  }
0x30: {  	s3 =	sld [smem:$0x3FAD]  }
0x31: {  	[smem:$0x3FB6] =	sst s10  }
0x32: {  	s10 =	sld [smem:$0x3FB4];
	_ =	sdelay $0x3  }
0x33: {  	p0 =	seq.s32 s10, $0x1;
	s10 =	sld [smem:$0x3FB6];
	_ =	sdelay $0x3  }
0x34: {  	[smem:$0x3FB6] =	sst s10  }
0x35: {  	s10 =	sld [smem:$0x3FB5];
	_ =	sdelay $0x3  }
0x36: {  	p1 =	seq.s32 s10, $0x1;
	s10 =	sld [smem:$0x3FB6];
	_ =	sdelay $0x3  }
0x37: {  	[smem:$0x3FB6] =	sst s10  }
0x38: {  	s10 =	sld [smem:$0x3FB7]  }
0x39: {  	_ = 	snop;
	(pc) =	sbr.ind lr, $3  }
0x3a: {  	_ = 	snop  }
0x3b: {  	_ = 	snop  }
0x3c: {  	p2 =	seq.s32 s10, $0x1;
	s10 =	sld [smem:$0x3FB6]  }
0x3d: {  	_ =	shalt  }
0x3e: {  	_ =	shalt  }
0x3f: {  	_ =	shalt  }
0x40: {  	_ =	shalt  }
0x41: {  	_ =	shalt  }
0x42: {  	_ =	shalt  }
0x43: {  	_ =	shalt  }
0x44: {  	_ =	shalt  }
0x45: {  	_ =	shalt  }
0x46: {  	_ =	shalt  }
0x47: {  	_ =	shalt  }
0x48: {  	_ =	shalt  }
0x49: {  	_ =	shalt  }
0x4a: {  	_ =	shalt  }
0x4b: {  	_ =	shalt  }
0x4c: {  	_ =	shalt  }
0x4d: {  	_ =	shalt  }
0x4e: {  	_ =	shalt  }
0x4f: {  	_ =	shalt  }
0x50: {  	_ =	shalt  }
0x51: {  	_ =	shalt  }
0x52: {  	_ =	shalt  }
0x53: {  	_ =	shalt  }
0x54: {  	_ =	shalt  }
0x55: {  	_ =	shalt  }
0x56: {  	_ =	shalt  }
0x57: {  	_ =	shalt  }
0x58: {  	_ =	shalt  }
0x59: {  	_ =	shalt  }
0x5a: {  	_ =	shalt  }
0x5b: {  	_ =	shalt  }
0x5c: {  	_ =	shalt  }
0x5d: {  	_ =	shalt  }
0x5e: {  	_ =	shalt  }
0x5f: {  	_ =	shalt  }
0x60: {  	_ =	shalt  }
0x61: {  	_ =	shalt  }
0x62: {  	_ =	shalt  }
0x63: {  	_ =	shalt  }
0x64: {  	_ =	shalt  }
0x65: {  	_ =	shalt  }
0x66: {  	_ =	shalt  }
0x67: {  	_ =	shalt  }
0x68: {  	_ =	shalt  }
0x69: {  	_ =	shalt  }
0x6a: {  	_ =	shalt  }
0x6b: {  	_ =	shalt  }
0x6c: {  	_ =	shalt  }
0x6d: {  	_ =	shalt  }
0x6e: {  	_ =	shalt  }
0x6f: {  	_ =	shalt  }
0x70: {  	_ =	shalt  }
0x71: {  	_ =	shalt  }
0x72: {  	_ =	shalt  }
0x73: {  	_ =	shalt  }
0x74: {  	_ =	shalt  }
0x75: {  	_ =	shalt  }
0x76: {  	_ =	shalt  }
0x77: {  	_ =	shalt  }
0x78: {  	_ =	shalt  }
0x79: {  	_ =	shalt  }
0x7a: {  	_ =	shalt  }
0x7b: {  	_ =	shalt  }
0x7c: {  	_ =	shalt  }
0x7d: {  	_ =	shalt  }
0x7e: {  	_ =	shalt  }
0x7f: {  	_ =	shalt  }
0x80: {  	_ =	shalt  }
0x81: {  	_ =	shalt  }
0x82: {  	_ =	shalt  }
0x83: {  	_ =	shalt  }
0x84: {  	_ =	shalt  }
0x85: {  	_ =	shalt  }
0x86: {  	_ =	shalt  }
0x87: {  	_ =	shalt  }
.Lfunc_end0:
.L_simem_size_0:
called_computation.1_lowered:
.L_overlay_start_0:
0x88: {  	s2 =	sld [smem:$0x3FD9]  }
0x89: {  	s3 =	sld [smem:$0x3FFE];
	_ =	sdelay $0x1  }
0x8a: {  	s1 =	srdreg.scid  }
0x8b: {  	s0 =	sand.u32 $0x1, s1  }
0x8c: {  	s17 =	sshll.u32 s0, $0xA;
	s2 =	sadd.s32 s3, s2  }
0x8d: {  	s2 =	sadd.s32 s2, s17  }
0x8e: {  	[smem:$0x3FC2] =	sst s2  }
0x8f: {  	_ = 	snop  }
0x90: {  	s2 =	sld [smem:$0x3FD0];
	(tm) =	ssettm $0x1  }
0x91: {  	s18 =	sld [smem:$0x3FFB];
	_ =	sdelay $0x3  }
0x92: {  	_ =	strace s18  }
0x93: {  	s3 =	sld [smem:$0x3FFC];
	_ =	sdelay $0x3  }
0x94: {  	_ =	strace s3  }
0x95: {  	s3 =	sld [smem:$0x3FFD];
	_ =	sdelay $0x3  }
0x96: {  	_ =	strace s3  }
0x97: {  	_ =	strace $0x8FFFFFFF  }
0x98: {  	s19 =	sld [smem:$0x3FDB];
	_ =	sdelay $0x1  }
0x99: {  	s4 =	simm.s32 $_scs_section_size  }
0x9a: {  	s5 =	simm.s32 $_size__tile_overlayer_lowered;
	s6 =	simm.s32 $_tile_overlayer_lowered  }
0x9b: {  	s22 =	simm.s32 $0x1BFF;
	s21 =	sshll.u32 s6, $0x1;
	s3 =	sadd.s32 s4, s19  }
0x9c: {  	s7 =	simm.s32 $0x0;
	s20 =	sshll.u32 s5, $0x1;
	s5 =	sadd.s32 s21, s3  }
0x9d: {  	[timem:s7], [sflag:s22] =	dma.local [hbm:s5], s20  }
0x9e: {  	_ =	swait.ge [sflag:s22], s20  }
0x9f: {  	s4 =	ssub.s32 $0x0, s20;
	[sflag:s22] =	ssyncset.done $0x0  }
0xa0: {  	[sflag:s22] =	ssyncadd.s32 s4;
	_ =	sdelay $0x1  }
0xa1: {  	s23 =	simm.s32 $0x1B8B  }
0xa2: {  	_ =	swait.ge [sflag:s23], $0x1  }
0xa3: {  	[sflag:s23] =	ssyncset.done $0x0  }
0xa4: {  	s25 =	simm.s32 $0x1B8E;
	s24 =	sld [smem:$0x3FFE];
	[sflag:s23] =	ssyncadd.s32 $0xFFFFFFFF  }
0xa5: {  	s26 =	simm.s32 $execute0_lowered;
	[smem:$0x3FD2] =	sst s25  }
0xa6: {  	s5 =	sshll.u32 s26, $0x1;
	_ =	strace $0x80000046;
	[dreg:$0x1] =	wrdreg $0xFFFFFFFF  }
0xa7: {  	s28 =	simm.s32 $_size_execute0_lowered;
	s3 =	sadd.s32 s3, s5;
	[dreg:$0x0] =	wrdreg $0x0  }
0xa8: {  	s5 =	sshll.u32 s28, $0x1;
	[dreg:$0x2] =	wrdreg s3  }
0xa9: {  	[dreg:$0x3] =	wrdreg s5  }
0xaa: {  	[dreg:$0x4] =	wrdreg $0xC0  }
0xab: {  	_ =	task [dreg:s7], $0x5FFFF  }
0xac: {  	[dreg:$0x1] =	wrdreg $0xFFFFFFFF  }
0xad: {  	[dreg:$0x0] =	wrdreg $0x60  }
0xae: {  	[dreg:$0x2] =	wrdreg s24  }
0xaf: {  	[dreg:$0x3] =	wrdreg s2  }
0xb0: {  	[dreg:$0x4] =	wrdreg $0x9  }
0xb1: {  	_ =	task.clear_ibuf [dreg:s7], $0x5FFFF;
	_ =	strace $0x90000046  }
0xb2: {  	s29 =	simm.s32 $0x9;
	_ =	strace $0x80000048  }
0xb3: {  	_ =	swait.ge [sflag:s29], $0x1  }
0xb4: {  	[sflag:s29] =	ssyncadd.s32 $0xFFFFFFFF  }
0xb5: {  	_ =	strace $0x90000048  }
0xb6: {  	_ =	sfence  }
0xb7: {  	s30 =	sld [smem:$0x0];
	_ =	sdelay $0x2  }
0xb8: {  	s31 =	sshll.u32 s1, $0xD;
	s1 =	sshrl.u32 s1, $0x2  }
0xb9: {  	s3 =	sand.u32 $0x4000, s31;
	s1 =	sadd.s32 s1, s30  }
0xba: {  	s0 =	sor.u32 s3, s0;
	s1 =	sshll.u32 s1, $0x11  }
0xbb: {  	s0 =	sor.u32 s1, s0  }
0xbc: {  	s0 =	sadd.s32 $0x8F2B, s0  }
0xbd: {  	[sflag:s0] =	ssyncadd.remote.s32 $0x1  }
0xbe: {  	_ =	sfence.sel $0xFFFF  }
0xbf: {  	[dreg:$0x0] =	wrdreg $0xFFFFFFFF;
	(pc) =	sbr.abs _section_cstart, $3  }
0xc0: {  	[dreg:$0x1] =	wrdreg $0xFFFFFFFF  }
0xc1: {  	_ =	task.clear_ibuf [dreg:s7], $0x2FFFF;
	_ =	strace $0x9FFFFFFF  }
0xc2: {  	(tm) =	ssettm $0x7FFFFFFF  }
0xc3: {  	_ =	shalt  }
tec
execute0_lowered:
.L_overlay_start_1:
0x0: {  	(tag) =	ssettag $0x1  }
0x1: {  	s0 =	srdreg.scid;
	s2 =	stileid.u32  }
0x2: {  	s0 =	sand.u32 $0x1, s0;
	s2 =	sshll.u32 s2, $0x1  }
0x3: {  	s4 =	sor.u32 s0, s2  }
0x4: {  	s1 =	rddreg [dreg:$0x0];
	s5 =	smul.u32 $0x180, s4  }
0x5: {  	s3 =	rddreg [dreg:$0x1];
	s2 =	simm.s32 $0x0;
	s6 =	smul.u32 $0xA000, s4  }
0x6: {  	[smem:$0x7FF] =	sst s2;
	s5 =	sadd.s32 s5, s1  }
0x7: {  	s4 =	smul.u32 $0x50000, s4;
	s22 =	sadd.s32 s3, s6;
	s5 =	sadd.s32 $0xE00, s5  }
0x8: {  	_ =	strace $0x80000047;
	s8 =	sadd.s32 $0x800, s22;
	[dreg:$0x3] =	wrdreg s5  }
0x9: {  	s4 =	sshrl.u32 s4, $0x3;
	s9 =	sadd.s32 $0x1000, s22;
	[dreg:$0x4] =	wrdreg s8  }
0xa: {  	s10 =	sadd.s32 $0x1800, s22;
	s3 =	sadd.s32 s3, s4;
	[dreg:$0x5] =	wrdreg s9  }
0xb: {  	s31 =	simm.s32 $0x5;
	[dreg:$0x6] =	wrdreg s10;
	s4 =	sadd.s32 $0x2000, s3  }
0xc: {  	s7 =	simm.s32 $0xC00;
	s11 =	sadd.s32 $0x2800, s3;
	[dreg:$0x7] =	wrdreg s4  }
0xd: {  	s30 =	simm.s32 $0x100;
	s12 =	sadd.s32 $0x3000, s3;
	[dreg:$0x8] =	wrdreg s11  }
0xe: {  	s29 =	simm.s32 $0x180;
	s13 =	sadd.s32 $0x3800, s3;
	[dreg:$0x9] =	wrdreg s12  }
0xf: {  	s28 =	simm.s32 $0x200;
	s14 =	sadd.s32 $0x4000, s3;
	[dreg:$0xa] =	wrdreg s13  }
0x10: {  	p0 =	por $0x0, $0x0;
	s15 =	sadd.s32 $0x4800, s3;
	[dreg:$0xb] =	wrdreg s14  }
0x11: {  	s0 =	ssub.s32 $0x2, s0;
	s16 =	sadd.s32 $0x5000, s3;
	[dreg:$0xc] =	wrdreg s15  }
0x12: {  	s25 =	sshrl.u32 s0, $0x1;
	s17 =	sadd.s32 $0x5800, s3;
	[dreg:$0xd] =	wrdreg s16  }
0x13: {  	s0 =	ssub.s32 s0, s25;
	s18 =	sadd.s32 $0x6000, s3;
	[dreg:$0xe] =	wrdreg s17  }
0x14: {  	s25 =	simm.s32 $0x300;
	s19 =	sadd.s32 $0x6800, s3;
	[dreg:$0xf] =	wrdreg s18  }
0x15: {  	s6 =	sadd.s32 $0x3E00, s1;
	s20 =	sadd.s32 $0x7000, s3;
	[dreg:$0x10] =	wrdreg s19  }
0x16: {  	s0 =	smax.u32 s0, $0x1;
	s21 =	sadd.s32 $0x7800, s3;
	[dreg:$0x11] =	wrdreg s20  }
0x17: {  	p1 =	sne.s32 s0, $0x1;
	s23 =	sadd.s32 $0x8000, s3;
	[dreg:$0x12] =	wrdreg s21  }
0x18: {  	s1 =	sadd.s32 $0xFFFFFFFF, s0;
	s24 =	sadd.s32 $0x8800, s3;
	[dreg:$0x13] =	wrdreg s23  }
0x19: {  	s26 =	sadd.s32 $0x9000, s3;
	s3 =	sadd.s32 $0x9800, s3;
	[dreg:$0x14] =	wrdreg s24  }
0x1a: {  	s10 =	simm.s32 $0x80;
	s5 =	simm.s32 $0x4C00;
	[dreg:$0x15] =	wrdreg s26  }
0x1b: {  	s9 =	simm.s32 $0x1;
	s8 =	simm.s32 $0x2;
	[dreg:$0x16] =	wrdreg s3  }
0x1c: {  	s3 =	simm.s32 $0x3;
	s4 =	simm.s32 $0x4;
	s26 =	simm.s32 $0x280  }
.Ltmp0:
0x1d: {  	s24 =	simm.s32 $0x380;
	s23 =	simm.s32 $0x400;
	(pc) =	sbr.rel @!p1 .LBB2_3-.Ltmp0, $4  }
0x1e: {  	s21 =	simm.s32 $0x480;
	s20 =	simm.s32 $0x500;
	s19 =	simm.s32 $0x580  }
0x1f: {  	s18 =	simm.s32 $0x600;
	s17 =	simm.s32 $0x680;
	s16 =	simm.s32 $0x700  }
0x20: {  	s15 =	simm.s32 $0x780;
	s14 =	simm.s32 $0x800;
	s13 =	simm.s32 $0x880  }
0x21: {  	s12 =	simm.s32 $0x900;
	s11 =	simm.s32 $0x980;
	s0 =	rddreg [dreg:$0x3]  }
0x22: {  	[tilespmem:s2], [sflag:$0x5] =	stream.linear.gather [hbm4b:s0+s2], $0xA00, $0x38;
	[tilespmem:$0x8C00] =	vst v63  }
0x23: {  	_ =	swait.ge [sflag:s31], $0xA00  }
0x24: {  	[sflag:s31] =	ssyncset.done $0x0  }
0x25: {  	[sflag:s31] =	ssyncadd.s32 $0xFFFFF600  }
0x26: {  	[tilespmem:s7], [sflag:$0x1] =	stream.indirect.gather [hbm4b:s6+s10], $0x80, s2, s10, $0xb8;
	[tilespmem:$0x8C00] =	vst v63  }
0x27: {  	_ = 	snop  }
0x28: {  	[tilespmem:s5], [sflag:$0x2] =	stream.indirect.gather [hbm4b:s6+s10], $0x80, s10, s10, $0xb8;
	[tilespmem:$0x8C00] =	vst v63  }
0x29: {  	_ =	swait.ge [sflag:s9], $0x4000  }
0x2a: {  	[sflag:s9] =	ssyncset.done $0x0  }
0x2b: {  	[sflag:s9] =	ssyncadd.s32 $0xFFFFC000  }
0x2c: {  	[hbm4b:s22+s2] =	stream.linear.scatter [tilespmem:s7], [sflag:$0x3], $0x4000, $0x38;
	[tilespmem:$0x8C00] =	vst v63  }
0x2d: {  	_ =	swait.ge [sflag:s3], $0x4000  }
0x2e: {  	[sflag:s3] =	ssyncset.done $0x0  }
0x2f: {  	[sflag:s3] =	ssyncadd.s32 $0xFFFFC000  }
0x30: {  	[tilespmem:s7], [sflag:$0x1] =	stream.indirect.gather [hbm4b:s6+s10], $0x80, s30, s10, $0xb8;
	[tilespmem:$0x8C00] =	vst v63  }
0x31: {  	_ =	swait.ge [sflag:s8], $0x4000  }
0x32: {  	[sflag:s8] =	ssyncset.done $0x0  }
0x33: {  	s0 =	rddreg [dreg:$0x4];
	[sflag:s8] =	ssyncadd.s32 $0xFFFFC000  }
0x34: {  	[hbm4b:s0+s2] =	stream.linear.scatter [tilespmem:s5], [sflag:$0x4], $0x4000, $0x38;
	[tilespmem:$0x8C00] =	vst v63  }
0x35: {  	_ =	swait.ge [sflag:s4], $0x4000  }
0x36: {  	[sflag:s4] =	ssyncset.done $0x0  }
0x37: {  	[sflag:s4] =	ssyncadd.s32 $0xFFFFC000  }
0x38: {  	[tilespmem:s5], [sflag:$0x2] =	stream.indirect.gather [hbm4b:s6+s10], $0x80, s29, s10, $0xb8;
	[tilespmem:$0x8C00] =	vst v63  }
0x39: {  	_ =	swait.ge [sflag:s9], $0x4000  }
0x3a: {  	[sflag:s9] =	ssyncset.done $0x0  }
0x3b: {  	s0 =	rddreg [dreg:$0x5];
	[sflag:s9] =	ssyncadd.s32 $0xFFFFC000  }
0x3c: {  	[hbm4b:s0+s2] =	stream.linear.scatter [tilespmem:s7], [sflag:$0x3], $0x4000, $0x38;
	[tilespmem:$0x8C00] =	vst v63  }
0x3d: {  	_ =	swait.ge [sflag:s3], $0x4000  }
0x3e: {  	[sflag:s3] =	ssyncset.done $0x0  }
0x3f: {  	[sflag:s3] =	ssyncadd.s32 $0xFFFFC000  }
0x40: {  	[tilespmem:s7], [sflag:$0x1] =	stream.indirect.gather [hbm4b:s6+s10], $0x80, s28, s10, $0xb8;
	[tilespmem:$0x8C00] =	vst v63  }
0x41: {  	_ =	swait.ge [sflag:s8], $0x4000  }
0x42: {  	[sflag:s8] =	ssyncset.done $0x0  }
0x43: {  	s0 =	rddreg [dreg:$0x6];
	[sflag:s8] =	ssyncadd.s32 $0xFFFFC000  }
0x44: {  	[hbm4b:s0+s2] =	stream.linear.scatter [tilespmem:s5], [sflag:$0x4], $0x4000, $0x38;
	[tilespmem:$0x8C00] =	vst v63  }
0x45: {  	_ =	swait.ge [sflag:s4], $0x4000  }
0x46: {  	[sflag:s4] =	ssyncset.done $0x0  }
0x47: {  	[sflag:s4] =	ssyncadd.s32 $0xFFFFC000  }
0x48: {  	[tilespmem:s5], [sflag:$0x2] =	stream.indirect.gather [hbm4b:s6+s10], $0x80, s26, s10, $0xb8;
	[tilespmem:$0x8C00] =	vst v63  }
0x49: {  	_ =	swait.ge [sflag:s9], $0x4000  }
0x4a: {  	[sflag:s9] =	ssyncset.done $0x0  }
0x4b: {  	s0 =	rddreg [dreg:$0x7];
	[sflag:s9] =	ssyncadd.s32 $0xFFFFC000  }
0x4c: {  	[hbm4b:s0+s2] =	stream.linear.scatter [tilespmem:s7], [sflag:$0x3], $0x4000, $0x38;
	[tilespmem:$0x8C00] =	vst v63  }
0x4d: {  	_ =	swait.ge [sflag:s3], $0x4000  }
0x4e: {  	[sflag:s3] =	ssyncset.done $0x0  }
0x4f: {  	[sflag:s3] =	ssyncadd.s32 $0xFFFFC000  }
0x50: {  	[tilespmem:s7], [sflag:$0x1] =	stream.indirect.gather [hbm4b:s6+s10], $0x80, s25, s10, $0xb8;
	[tilespmem:$0x8C00] =	vst v63  }
0x51: {  	_ =	swait.ge [sflag:s8], $0x4000  }
0x52: {  	[sflag:s8] =	ssyncset.done $0x0  }
0x53: {  	s0 =	rddreg [dreg:$0x8];
	[sflag:s8] =	ssyncadd.s32 $0xFFFFC000  }
0x54: {  	[hbm4b:s0+s2] =	stream.linear.scatter [tilespmem:s5], [sflag:$0x4], $0x4000, $0x38;
	[tilespmem:$0x8C00] =	vst v63  }
0x55: {  	_ =	swait.ge [sflag:s4], $0x4000  }
0x56: {  	[sflag:s4] =	ssyncset.done $0x0  }
0x57: {  	[sflag:s4] =	ssyncadd.s32 $0xFFFFC000  }
0x58: {  	[tilespmem:s5], [sflag:$0x2] =	stream.indirect.gather [hbm4b:s6+s10], $0x80, s24, s10, $0xb8;
	[tilespmem:$0x8C00] =	vst v63  }
0x59: {  	_ =	swait.ge [sflag:s9], $0x4000  }
0x5a: {  	[sflag:s9] =	ssyncset.done $0x0  }
0x5b: {  	s0 =	rddreg [dreg:$0x9];
	[sflag:s9] =	ssyncadd.s32 $0xFFFFC000  }
0x5c: {  	[hbm4b:s0+s2] =	stream.linear.scatter [tilespmem:s7], [sflag:$0x3], $0x4000, $0x38;
	[tilespmem:$0x8C00] =	vst v63  }
0x5d: {  	_ =	swait.ge [sflag:s3], $0x4000  }
0x5e: {  	[sflag:s3] =	ssyncset.done $0x0  }
0x5f: {  	[sflag:s3] =	ssyncadd.s32 $0xFFFFC000  }
0x60: {  	[tilespmem:s7], [sflag:$0x1] =	stream.indirect.gather [hbm4b:s6+s10], $0x80, s23, s10, $0xb8;
	[tilespmem:$0x8C00] =	vst v63  }
0x61: {  	_ =	swait.ge [sflag:s8], $0x4000  }
0x62: {  	[sflag:s8] =	ssyncset.done $0x0  }
0x63: {  	s0 =	rddreg [dreg:$0xa];
	[sflag:s8] =	ssyncadd.s32 $0xFFFFC000  }
0x64: {  	[hbm4b:s0+s2] =	stream.linear.scatter [tilespmem:s5], [sflag:$0x4], $0x4000, $0x38;
	[tilespmem:$0x8C00] =	vst v63  }
0x65: {  	_ =	swait.ge [sflag:s4], $0x4000  }
0x66: {  	[sflag:s4] =	ssyncset.done $0x0  }
0x67: {  	[sflag:s4] =	ssyncadd.s32 $0xFFFFC000  }
0x68: {  	[tilespmem:s5], [sflag:$0x2] =	stream.indirect.gather [hbm4b:s6+s10], $0x80, s21, s10, $0xb8;
	[tilespmem:$0x8C00] =	vst v63  }
0x69: {  	_ =	swait.ge [sflag:s9], $0x4000  }
0x6a: {  	[sflag:s9] =	ssyncset.done $0x0  }
0x6b: {  	s0 =	rddreg [dreg:$0xb];
	[sflag:s9] =	ssyncadd.s32 $0xFFFFC000  }
0x6c: {  	[hbm4b:s0+s2] =	stream.linear.scatter [tilespmem:s7], [sflag:$0x3], $0x4000, $0x38;
	[tilespmem:$0x8C00] =	vst v63  }
0x6d: {  	_ =	swait.ge [sflag:s3], $0x4000  }
0x6e: {  	[sflag:s3] =	ssyncset.done $0x0  }
0x6f: {  	[sflag:s3] =	ssyncadd.s32 $0xFFFFC000  }
0x70: {  	[tilespmem:s7], [sflag:$0x1] =	stream.indirect.gather [hbm4b:s6+s10], $0x80, s20, s10, $0xb8;
	[tilespmem:$0x8C00] =	vst v63  }
0x71: {  	_ =	swait.ge [sflag:s8], $0x4000  }
0x72: {  	[sflag:s8] =	ssyncset.done $0x0  }
0x73: {  	s0 =	rddreg [dreg:$0xc];
	[sflag:s8] =	ssyncadd.s32 $0xFFFFC000  }
0x74: {  	[hbm4b:s0+s2] =	stream.linear.scatter [tilespmem:s5], [sflag:$0x4], $0x4000, $0x38;
	[tilespmem:$0x8C00] =	vst v63  }
0x75: {  	_ =	swait.ge [sflag:s4], $0x4000  }
0x76: {  	[sflag:s4] =	ssyncset.done $0x0  }
0x77: {  	[sflag:s4] =	ssyncadd.s32 $0xFFFFC000  }
0x78: {  	[tilespmem:s5], [sflag:$0x2] =	stream.indirect.gather [hbm4b:s6+s10], $0x80, s19, s10, $0xb8;
	[tilespmem:$0x8C00] =	vst v63  }
0x79: {  	_ =	swait.ge [sflag:s9], $0x4000  }
0x7a: {  	[sflag:s9] =	ssyncset.done $0x0  }
0x7b: {  	s0 =	rddreg [dreg:$0xd];
	[sflag:s9] =	ssyncadd.s32 $0xFFFFC000  }
0x7c: {  	[hbm4b:s0+s2] =	stream.linear.scatter [tilespmem:s7], [sflag:$0x3], $0x4000, $0x38;
	[tilespmem:$0x8C00] =	vst v63  }
0x7d: {  	_ =	swait.ge [sflag:s3], $0x4000  }
0x7e: {  	[sflag:s3] =	ssyncset.done $0x0  }
0x7f: {  	[sflag:s3] =	ssyncadd.s32 $0xFFFFC000  }
0x80: {  	[tilespmem:s7], [sflag:$0x1] =	stream.indirect.gather [hbm4b:s6+s10], $0x80, s18, s10, $0xb8;
	[tilespmem:$0x8C00] =	vst v63  }
0x81: {  	_ =	swait.ge [sflag:s8], $0x4000  }
0x82: {  	[sflag:s8] =	ssyncset.done $0x0  }
0x83: {  	s0 =	rddreg [dreg:$0xe];
	[sflag:s8] =	ssyncadd.s32 $0xFFFFC000  }
0x84: {  	[hbm4b:s0+s2] =	stream.linear.scatter [tilespmem:s5], [sflag:$0x4], $0x4000, $0x38;
	[tilespmem:$0x8C00] =	vst v63  }
0x85: {  	_ =	swait.ge [sflag:s4], $0x4000  }
0x86: {  	[sflag:s4] =	ssyncset.done $0x0  }
0x87: {  	[sflag:s4] =	ssyncadd.s32 $0xFFFFC000  }
0x88: {  	[tilespmem:s5], [sflag:$0x2] =	stream.indirect.gather [hbm4b:s6+s10], $0x80, s17, s10, $0xb8;
	[tilespmem:$0x8C00] =	vst v63  }
0x89: {  	_ =	swait.ge [sflag:s9], $0x4000  }
0x8a: {  	[sflag:s9] =	ssyncset.done $0x0  }
0x8b: {  	s0 =	rddreg [dreg:$0xf];
	[sflag:s9] =	ssyncadd.s32 $0xFFFFC000  }
0x8c: {  	[hbm4b:s0+s2] =	stream.linear.scatter [tilespmem:s7], [sflag:$0x3], $0x4000, $0x38;
	[tilespmem:$0x8C00] =	vst v63  }
0x8d: {  	_ =	swait.ge [sflag:s3], $0x4000  }
0x8e: {  	[sflag:s3] =	ssyncset.done $0x0  }
0x8f: {  	[sflag:s3] =	ssyncadd.s32 $0xFFFFC000  }
0x90: {  	[tilespmem:s7], [sflag:$0x1] =	stream.indirect.gather [hbm4b:s6+s10], $0x80, s16, s10, $0xb8;
	[tilespmem:$0x8C00] =	vst v63  }
0x91: {  	_ =	swait.ge [sflag:s8], $0x4000  }
0x92: {  	[sflag:s8] =	ssyncset.done $0x0  }
0x93: {  	s0 =	rddreg [dreg:$0x10];
	[sflag:s8] =	ssyncadd.s32 $0xFFFFC000  }
0x94: {  	[hbm4b:s0+s2] =	stream.linear.scatter [tilespmem:s5], [sflag:$0x4], $0x4000, $0x38;
	[tilespmem:$0x8C00] =	vst v63  }
0x95: {  	_ =	swait.ge [sflag:s4], $0x4000  }
0x96: {  	[sflag:s4] =	ssyncset.done $0x0  }
0x97: {  	[sflag:s4] =	ssyncadd.s32 $0xFFFFC000  }
0x98: {  	[tilespmem:s5], [sflag:$0x2] =	stream.indirect.gather [hbm4b:s6+s10], $0x80, s15, s10, $0xb8;
	[tilespmem:$0x8C00] =	vst v63  }
0x99: {  	_ =	swait.ge [sflag:s9], $0x4000  }
0x9a: {  	[sflag:s9] =	ssyncset.done $0x0  }
0x9b: {  	s0 =	rddreg [dreg:$0x11];
	[sflag:s9] =	ssyncadd.s32 $0xFFFFC000  }
0x9c: {  	[hbm4b:s0+s2] =	stream.linear.scatter [tilespmem:s7], [sflag:$0x3], $0x4000, $0x38;
	[tilespmem:$0x8C00] =	vst v63  }
0x9d: {  	_ =	swait.ge [sflag:s3], $0x4000  }
0x9e: {  	[sflag:s3] =	ssyncset.done $0x0  }
0x9f: {  	[sflag:s3] =	ssyncadd.s32 $0xFFFFC000  }
0xa0: {  	[tilespmem:s7], [sflag:$0x1] =	stream.indirect.gather [hbm4b:s6+s10], $0x80, s14, s10, $0xb8;
	[tilespmem:$0x8C00] =	vst v63  }
0xa1: {  	_ =	swait.ge [sflag:s8], $0x4000  }
0xa2: {  	[sflag:s8] =	ssyncset.done $0x0  }
0xa3: {  	s0 =	rddreg [dreg:$0x12];
	[sflag:s8] =	ssyncadd.s32 $0xFFFFC000  }
0xa4: {  	[hbm4b:s0+s2] =	stream.linear.scatter [tilespmem:s5], [sflag:$0x4], $0x4000, $0x38;
	[tilespmem:$0x8C00] =	vst v63  }
0xa5: {  	_ =	swait.ge [sflag:s4], $0x4000  }
0xa6: {  	[sflag:s4] =	ssyncset.done $0x0  }
0xa7: {  	[sflag:s4] =	ssyncadd.s32 $0xFFFFC000  }
0xa8: {  	[tilespmem:s5], [sflag:$0x2] =	stream.indirect.gather [hbm4b:s6+s10], $0x80, s13, s10, $0xb8;
	[tilespmem:$0x8C00] =	vst v63  }
0xa9: {  	_ =	swait.ge [sflag:s9], $0x4000  }
0xaa: {  	[sflag:s9] =	ssyncset.done $0x0  }
0xab: {  	s0 =	rddreg [dreg:$0x13];
	[sflag:s9] =	ssyncadd.s32 $0xFFFFC000  }
0xac: {  	[hbm4b:s0+s2] =	stream.linear.scatter [tilespmem:s7], [sflag:$0x3], $0x4000, $0x38;
	[tilespmem:$0x8C00] =	vst v63  }
0xad: {  	_ =	swait.ge [sflag:s3], $0x4000  }
0xae: {  	[sflag:s3] =	ssyncset.done $0x0  }
0xaf: {  	[sflag:s3] =	ssyncadd.s32 $0xFFFFC000  }
0xb0: {  	[tilespmem:s7], [sflag:$0x1] =	stream.indirect.gather [hbm4b:s6+s10], $0x80, s12, s10, $0xb8;
	[tilespmem:$0x8C00] =	vst v63  }
0xb1: {  	_ =	swait.ge [sflag:s8], $0x4000  }
0xb2: {  	[sflag:s8] =	ssyncset.done $0x0  }
0xb3: {  	s0 =	rddreg [dreg:$0x14];
	[sflag:s8] =	ssyncadd.s32 $0xFFFFC000  }
0xb4: {  	[hbm4b:s0+s2] =	stream.linear.scatter [tilespmem:s5], [sflag:$0x4], $0x4000, $0x38;
	[tilespmem:$0x8C00] =	vst v63  }
0xb5: {  	_ =	swait.ge [sflag:s4], $0x4000  }
0xb6: {  	[sflag:s4] =	ssyncset.done $0x0  }
0xb7: {  	[sflag:s4] =	ssyncadd.s32 $0xFFFFC000  }
0xb8: {  	[tilespmem:s5], [sflag:$0x2] =	stream.indirect.gather [hbm4b:s6+s10], $0x80, s11, s10, $0xb8;
	[tilespmem:$0x8C00] =	vst v63  }
0xb9: {  	_ =	swait.ge [sflag:s9], $0x4000  }
0xba: {  	[sflag:s9] =	ssyncset.done $0x0  }
0xbb: {  	s0 =	rddreg [dreg:$0x15];
	[sflag:s9] =	ssyncadd.s32 $0xFFFFC000  }
0xbc: {  	[hbm4b:s0+s2] =	stream.linear.scatter [tilespmem:s7], [sflag:$0x3], $0x4000, $0x38;
	[tilespmem:$0x8C00] =	vst v63  }
0xbd: {  	_ =	swait.ge [sflag:s8], $0x4000  }
0xbe: {  	[sflag:s8] =	ssyncset.done $0x0  }
0xbf: {  	p1 =	sne.s32 s1, $0x1;
	s0 =	rddreg [dreg:$0x16];
	[sflag:s8] =	ssyncadd.s32 $0xFFFFC000  }
0xc0: {  	[hbm4b:s0+s2] =	stream.linear.scatter [tilespmem:s5], [sflag:$0x4], $0x4000, $0x38;
	[tilespmem:$0x8C00] =	vst v63  }
.Ltmp1:
0xc1: {  	_ =	swait.ge [sflag:s3], $0x4000;
	(pc) =	sbr.rel @!p1 .LBB2_3-.Ltmp1, $4  }
0xc2: {  	[sflag:s3] =	ssyncset.done $0x0  }
0xc3: {  	[sflag:s3] =	ssyncadd.s32 $0xFFFFC000  }
0xc4: {  	s1 =	sadd.s32 $0xFFFFFFFF, s1;
	_ =	swait.ge [sflag:s4], $0x4000  }
0xc5: {  	p0 =	por $0x1, $0x1;
	s0 =	rddreg [dreg:$0x3];
	[sflag:s4] =	ssyncset.done $0x0  }
.LBB2_2:
0xc6: {  	[sflag:s4] =	ssyncadd.s32 $0xFFFFC000  }
0xc7: {  	[tilespmem:s2], [sflag:$0x5] =	stream.linear.gather [hbm4b:s0+s2], $0xA00, $0x38;
	[tilespmem:$0x8C00] =	vst v63  }
0xc8: {  	_ =	swait.ge [sflag:s31], $0xA00  }
0xc9: {  	[sflag:s31] =	ssyncset.done $0x0  }
0xca: {  	[sflag:s31] =	ssyncadd.s32 $0xFFFFF600  }
0xcb: {  	[tilespmem:s7], [sflag:$0x1] =	stream.indirect.gather [hbm4b:s6+s10], $0x80, s2, s10, $0xb8;
	[tilespmem:$0x8C00] =	vst v63  }
0xcc: {  	_ = 	snop  }
0xcd: {  	[tilespmem:s5], [sflag:$0x2] =	stream.indirect.gather [hbm4b:s6+s10], $0x80, s10, s10, $0xb8;
	[tilespmem:$0x8C00] =	vst v63  }
0xce: {  	_ =	swait.ge [sflag:s9], $0x4000  }
0xcf: {  	[sflag:s9] =	ssyncset.done $0x0  }
0xd0: {  	[sflag:s9] =	ssyncadd.s32 $0xFFFFC000  }
0xd1: {  	[hbm4b:s22+s2] =	stream.linear.scatter [tilespmem:s7], [sflag:$0x3], $0x4000, $0x38;
	[tilespmem:$0x8C00] =	vst v63  }
0xd2: {  	_ =	swait.ge [sflag:s3], $0x4000  }
0xd3: {  	[sflag:s3] =	ssyncset.done $0x0  }
0xd4: {  	[sflag:s3] =	ssyncadd.s32 $0xFFFFC000  }
0xd5: {  	[tilespmem:s7], [sflag:$0x1] =	stream.indirect.gather [hbm4b:s6+s10], $0x80, s30, s10, $0xb8;
	[tilespmem:$0x8C00] =	vst v63  }
0xd6: {  	_ =	swait.ge [sflag:s8], $0x4000  }
0xd7: {  	[sflag:s8] =	ssyncset.done $0x0  }
0xd8: {  	s0 =	rddreg [dreg:$0x4];
	[sflag:s8] =	ssyncadd.s32 $0xFFFFC000  }
0xd9: {  	[hbm4b:s0+s2] =	stream.linear.scatter [tilespmem:s5], [sflag:$0x4], $0x4000, $0x38;
	[tilespmem:$0x8C00] =	vst v63  }
0xda: {  	_ =	swait.ge [sflag:s4], $0x4000  }
0xdb: {  	[sflag:s4] =	ssyncset.done $0x0  }
0xdc: {  	[sflag:s4] =	ssyncadd.s32 $0xFFFFC000  }
0xdd: {  	[tilespmem:s5], [sflag:$0x2] =	stream.indirect.gather [hbm4b:s6+s10], $0x80, s29, s10, $0xb8;
	[tilespmem:$0x8C00] =	vst v63  }
0xde: {  	_ =	swait.ge [sflag:s9], $0x4000  }
0xdf: {  	[sflag:s9] =	ssyncset.done $0x0  }
0xe0: {  	s0 =	rddreg [dreg:$0x5];
	[sflag:s9] =	ssyncadd.s32 $0xFFFFC000  }
0xe1: {  	[hbm4b:s0+s2] =	stream.linear.scatter [tilespmem:s7], [sflag:$0x3], $0x4000, $0x38;
	[tilespmem:$0x8C00] =	vst v63  }
0xe2: {  	_ =	swait.ge [sflag:s3], $0x4000  }
0xe3: {  	[sflag:s3] =	ssyncset.done $0x0  }
0xe4: {  	[sflag:s3] =	ssyncadd.s32 $0xFFFFC000  }
0xe5: {  	[tilespmem:s7], [sflag:$0x1] =	stream.indirect.gather [hbm4b:s6+s10], $0x80, s28, s10, $0xb8;
	[tilespmem:$0x8C00] =	vst v63  }
0xe6: {  	_ =	swait.ge [sflag:s8], $0x4000  }
0xe7: {  	[sflag:s8] =	ssyncset.done $0x0  }
0xe8: {  	s0 =	rddreg [dreg:$0x6];
	[sflag:s8] =	ssyncadd.s32 $0xFFFFC000  }
0xe9: {  	[hbm4b:s0+s2] =	stream.linear.scatter [tilespmem:s5], [sflag:$0x4], $0x4000, $0x38;
	[tilespmem:$0x8C00] =	vst v63  }
0xea: {  	_ =	swait.ge [sflag:s4], $0x4000  }
0xeb: {  	[sflag:s4] =	ssyncset.done $0x0  }
0xec: {  	[sflag:s4] =	ssyncadd.s32 $0xFFFFC000  }
0xed: {  	[tilespmem:s5], [sflag:$0x2] =	stream.indirect.gather [hbm4b:s6+s10], $0x80, s26, s10, $0xb8;
	[tilespmem:$0x8C00] =	vst v63  }
0xee: {  	_ =	swait.ge [sflag:s9], $0x4000  }
0xef: {  	[sflag:s9] =	ssyncset.done $0x0  }
0xf0: {  	s0 =	rddreg [dreg:$0x7];
	[sflag:s9] =	ssyncadd.s32 $0xFFFFC000  }
0xf1: {  	[hbm4b:s0+s2] =	stream.linear.scatter [tilespmem:s7], [sflag:$0x3], $0x4000, $0x38;
	[tilespmem:$0x8C00] =	vst v63  }
0xf2: {  	_ =	swait.ge [sflag:s3], $0x4000  }
0xf3: {  	[sflag:s3] =	ssyncset.done $0x0  }
0xf4: {  	[sflag:s3] =	ssyncadd.s32 $0xFFFFC000  }
0xf5: {  	[tilespmem:s7], [sflag:$0x1] =	stream.indirect.gather [hbm4b:s6+s10], $0x80, s25, s10, $0xb8;
	[tilespmem:$0x8C00] =	vst v63  }
0xf6: {  	_ =	swait.ge [sflag:s8], $0x4000  }
0xf7: {  	[sflag:s8] =	ssyncset.done $0x0  }
0xf8: {  	s0 =	rddreg [dreg:$0x8];
	[sflag:s8] =	ssyncadd.s32 $0xFFFFC000  }
0xf9: {  	[hbm4b:s0+s2] =	stream.linear.scatter [tilespmem:s5], [sflag:$0x4], $0x4000, $0x38;
	[tilespmem:$0x8C00] =	vst v63  }
0xfa: {  	_ =	swait.ge [sflag:s4], $0x4000  }
0xfb: {  	[sflag:s4] =	ssyncset.done $0x0  }
0xfc: {  	[sflag:s4] =	ssyncadd.s32 $0xFFFFC000  }
0xfd: {  	[tilespmem:s5], [sflag:$0x2] =	stream.indirect.gather [hbm4b:s6+s10], $0x80, s24, s10, $0xb8;
	[tilespmem:$0x8C00] =	vst v63  }
0xfe: {  	_ =	swait.ge [sflag:s9], $0x4000  }
0xff: {  	[sflag:s9] =	ssyncset.done $0x0  }
0x100: {  	s0 =	rddreg [dreg:$0x9];
	[sflag:s9] =	ssyncadd.s32 $0xFFFFC000  }
0x101: {  	[hbm4b:s0+s2] =	stream.linear.scatter [tilespmem:s7], [sflag:$0x3], $0x4000, $0x38;
	[tilespmem:$0x8C00] =	vst v63  }
0x102: {  	_ =	swait.ge [sflag:s3], $0x4000  }
0x103: {  	[sflag:s3] =	ssyncset.done $0x0  }
0x104: {  	[sflag:s3] =	ssyncadd.s32 $0xFFFFC000  }
0x105: {  	[tilespmem:s7], [sflag:$0x1] =	stream.indirect.gather [hbm4b:s6+s10], $0x80, s23, s10, $0xb8;
	[tilespmem:$0x8C00] =	vst v63  }
0x106: {  	_ =	swait.ge [sflag:s8], $0x4000  }
0x107: {  	[sflag:s8] =	ssyncset.done $0x0  }
0x108: {  	s0 =	rddreg [dreg:$0xa];
	[sflag:s8] =	ssyncadd.s32 $0xFFFFC000  }
0x109: {  	[hbm4b:s0+s2] =	stream.linear.scatter [tilespmem:s5], [sflag:$0x4], $0x4000, $0x38;
	[tilespmem:$0x8C00] =	vst v63  }
0x10a: {  	_ =	swait.ge [sflag:s4], $0x4000  }
0x10b: {  	[sflag:s4] =	ssyncset.done $0x0  }
0x10c: {  	[sflag:s4] =	ssyncadd.s32 $0xFFFFC000  }
0x10d: {  	[tilespmem:s5], [sflag:$0x2] =	stream.indirect.gather [hbm4b:s6+s10], $0x80, s21, s10, $0xb8;
	[tilespmem:$0x8C00] =	vst v63  }
0x10e: {  	_ =	swait.ge [sflag:s9], $0x4000  }
0x10f: {  	[sflag:s9] =	ssyncset.done $0x0  }
0x110: {  	s0 =	rddreg [dreg:$0xb];
	[sflag:s9] =	ssyncadd.s32 $0xFFFFC000  }
0x111: {  	[hbm4b:s0+s2] =	stream.linear.scatter [tilespmem:s7], [sflag:$0x3], $0x4000, $0x38;
	[tilespmem:$0x8C00] =	vst v63  }
0x112: {  	_ =	swait.ge [sflag:s3], $0x4000  }
0x113: {  	[sflag:s3] =	ssyncset.done $0x0  }
0x114: {  	[sflag:s3] =	ssyncadd.s32 $0xFFFFC000  }
0x115: {  	[tilespmem:s7], [sflag:$0x1] =	stream.indirect.gather [hbm4b:s6+s10], $0x80, s20, s10, $0xb8;
	[tilespmem:$0x8C00] =	vst v63  }
0x116: {  	_ =	swait.ge [sflag:s8], $0x4000  }
0x117: {  	[sflag:s8] =	ssyncset.done $0x0  }
0x118: {  	s0 =	rddreg [dreg:$0xc];
	[sflag:s8] =	ssyncadd.s32 $0xFFFFC000  }
0x119: {  	[hbm4b:s0+s2] =	stream.linear.scatter [tilespmem:s5], [sflag:$0x4], $0x4000, $0x38;
	[tilespmem:$0x8C00] =	vst v63  }
0x11a: {  	_ =	swait.ge [sflag:s4], $0x4000  }
0x11b: {  	[sflag:s4] =	ssyncset.done $0x0  }
0x11c: {  	[sflag:s4] =	ssyncadd.s32 $0xFFFFC000  }
0x11d: {  	[tilespmem:s5], [sflag:$0x2] =	stream.indirect.gather [hbm4b:s6+s10], $0x80, s19, s10, $0xb8;
	[tilespmem:$0x8C00] =	vst v63  }
0x11e: {  	_ =	swait.ge [sflag:s9], $0x4000  }
0x11f: {  	[sflag:s9] =	ssyncset.done $0x0  }
0x120: {  	s0 =	rddreg [dreg:$0xd];
	[sflag:s9] =	ssyncadd.s32 $0xFFFFC000  }
0x121: {  	[hbm4b:s0+s2] =	stream.linear.scatter [tilespmem:s7], [sflag:$0x3], $0x4000, $0x38;
	[tilespmem:$0x8C00] =	vst v63  }
0x122: {  	_ =	swait.ge [sflag:s3], $0x4000  }
0x123: {  	[sflag:s3] =	ssyncset.done $0x0  }
0x124: {  	[sflag:s3] =	ssyncadd.s32 $0xFFFFC000  }
0x125: {  	[tilespmem:s7], [sflag:$0x1] =	stream.indirect.gather [hbm4b:s6+s10], $0x80, s18, s10, $0xb8;
	[tilespmem:$0x8C00] =	vst v63  }
0x126: {  	_ =	swait.ge [sflag:s8], $0x4000  }
0x127: {  	[sflag:s8] =	ssyncset.done $0x0  }
0x128: {  	s0 =	rddreg [dreg:$0xe];
	[sflag:s8] =	ssyncadd.s32 $0xFFFFC000  }
0x129: {  	[hbm4b:s0+s2] =	stream.linear.scatter [tilespmem:s5], [sflag:$0x4], $0x4000, $0x38;
	[tilespmem:$0x8C00] =	vst v63  }
0x12a: {  	_ =	swait.ge [sflag:s4], $0x4000  }
0x12b: {  	[sflag:s4] =	ssyncset.done $0x0  }
0x12c: {  	[sflag:s4] =	ssyncadd.s32 $0xFFFFC000  }
0x12d: {  	[tilespmem:s5], [sflag:$0x2] =	stream.indirect.gather [hbm4b:s6+s10], $0x80, s17, s10, $0xb8;
	[tilespmem:$0x8C00] =	vst v63  }
0x12e: {  	_ =	swait.ge [sflag:s9], $0x4000  }
0x12f: {  	[sflag:s9] =	ssyncset.done $0x0  }
0x130: {  	s0 =	rddreg [dreg:$0xf];
	[sflag:s9] =	ssyncadd.s32 $0xFFFFC000  }
0x131: {  	[hbm4b:s0+s2] =	stream.linear.scatter [tilespmem:s7], [sflag:$0x3], $0x4000, $0x38;
	[tilespmem:$0x8C00] =	vst v63  }
0x132: {  	_ =	swait.ge [sflag:s3], $0x4000  }
0x133: {  	[sflag:s3] =	ssyncset.done $0x0  }
0x134: {  	[sflag:s3] =	ssyncadd.s32 $0xFFFFC000  }
0x135: {  	[tilespmem:s7], [sflag:$0x1] =	stream.indirect.gather [hbm4b:s6+s10], $0x80, s16, s10, $0xb8;
	[tilespmem:$0x8C00] =	vst v63  }
0x136: {  	_ =	swait.ge [sflag:s8], $0x4000  }
0x137: {  	[sflag:s8] =	ssyncset.done $0x0  }
0x138: {  	s0 =	rddreg [dreg:$0x10];
	[sflag:s8] =	ssyncadd.s32 $0xFFFFC000  }
0x139: {  	[hbm4b:s0+s2] =	stream.linear.scatter [tilespmem:s5], [sflag:$0x4], $0x4000, $0x38;
	[tilespmem:$0x8C00] =	vst v63  }
0x13a: {  	_ =	swait.ge [sflag:s4], $0x4000  }
0x13b: {  	[sflag:s4] =	ssyncset.done $0x0  }
0x13c: {  	[sflag:s4] =	ssyncadd.s32 $0xFFFFC000  }
0x13d: {  	[tilespmem:s5], [sflag:$0x2] =	stream.indirect.gather [hbm4b:s6+s10], $0x80, s15, s10, $0xb8;
	[tilespmem:$0x8C00] =	vst v63  }
0x13e: {  	_ =	swait.ge [sflag:s9], $0x4000  }
0x13f: {  	[sflag:s9] =	ssyncset.done $0x0  }
0x140: {  	s0 =	rddreg [dreg:$0x11];
	[sflag:s9] =	ssyncadd.s32 $0xFFFFC000  }
0x141: {  	[hbm4b:s0+s2] =	stream.linear.scatter [tilespmem:s7], [sflag:$0x3], $0x4000, $0x38;
	[tilespmem:$0x8C00] =	vst v63  }
0x142: {  	_ =	swait.ge [sflag:s3], $0x4000  }
0x143: {  	[sflag:s3] =	ssyncset.done $0x0  }
0x144: {  	[sflag:s3] =	ssyncadd.s32 $0xFFFFC000  }
0x145: {  	[tilespmem:s7], [sflag:$0x1] =	stream.indirect.gather [hbm4b:s6+s10], $0x80, s14, s10, $0xb8;
	[tilespmem:$0x8C00] =	vst v63  }
0x146: {  	_ =	swait.ge [sflag:s8], $0x4000  }
0x147: {  	[sflag:s8] =	ssyncset.done $0x0  }
0x148: {  	s0 =	rddreg [dreg:$0x12];
	[sflag:s8] =	ssyncadd.s32 $0xFFFFC000  }
0x149: {  	[hbm4b:s0+s2] =	stream.linear.scatter [tilespmem:s5], [sflag:$0x4], $0x4000, $0x38;
	[tilespmem:$0x8C00] =	vst v63  }
0x14a: {  	_ =	swait.ge [sflag:s4], $0x4000  }
0x14b: {  	[sflag:s4] =	ssyncset.done $0x0  }
0x14c: {  	[sflag:s4] =	ssyncadd.s32 $0xFFFFC000  }
0x14d: {  	[tilespmem:s5], [sflag:$0x2] =	stream.indirect.gather [hbm4b:s6+s10], $0x80, s13, s10, $0xb8;
	[tilespmem:$0x8C00] =	vst v63  }
0x14e: {  	_ =	swait.ge [sflag:s9], $0x4000  }
0x14f: {  	[sflag:s9] =	ssyncset.done $0x0  }
0x150: {  	s0 =	rddreg [dreg:$0x13];
	[sflag:s9] =	ssyncadd.s32 $0xFFFFC000  }
0x151: {  	[hbm4b:s0+s2] =	stream.linear.scatter [tilespmem:s7], [sflag:$0x3], $0x4000, $0x38;
	[tilespmem:$0x8C00] =	vst v63  }
0x152: {  	_ =	swait.ge [sflag:s3], $0x4000  }
0x153: {  	[sflag:s3] =	ssyncset.done $0x0  }
0x154: {  	[sflag:s3] =	ssyncadd.s32 $0xFFFFC000  }
0x155: {  	[tilespmem:s7], [sflag:$0x1] =	stream.indirect.gather [hbm4b:s6+s10], $0x80, s12, s10, $0xb8;
	[tilespmem:$0x8C00] =	vst v63  }
0x156: {  	_ =	swait.ge [sflag:s8], $0x4000  }
0x157: {  	[sflag:s8] =	ssyncset.done $0x0  }
0x158: {  	s0 =	rddreg [dreg:$0x14];
	[sflag:s8] =	ssyncadd.s32 $0xFFFFC000  }
0x159: {  	[hbm4b:s0+s2] =	stream.linear.scatter [tilespmem:s5], [sflag:$0x4], $0x4000, $0x38;
	[tilespmem:$0x8C00] =	vst v63  }
0x15a: {  	_ =	swait.ge [sflag:s4], $0x4000  }
0x15b: {  	[sflag:s4] =	ssyncset.done $0x0  }
0x15c: {  	[sflag:s4] =	ssyncadd.s32 $0xFFFFC000  }
0x15d: {  	[tilespmem:s5], [sflag:$0x2] =	stream.indirect.gather [hbm4b:s6+s10], $0x80, s11, s10, $0xb8;
	[tilespmem:$0x8C00] =	vst v63  }
0x15e: {  	_ =	swait.ge [sflag:s9], $0x4000  }
0x15f: {  	[sflag:s9] =	ssyncset.done $0x0  }
0x160: {  	s0 =	rddreg [dreg:$0x15];
	[sflag:s9] =	ssyncadd.s32 $0xFFFFC000  }
0x161: {  	[hbm4b:s0+s2] =	stream.linear.scatter [tilespmem:s7], [sflag:$0x3], $0x4000, $0x38;
	[tilespmem:$0x8C00] =	vst v63  }
0x162: {  	_ =	swait.ge [sflag:s8], $0x4000  }
0x163: {  	[sflag:s8] =	ssyncset.done $0x0  }
0x164: {  	p1 =	sne.s32 s1, $0x1;
	s0 =	rddreg [dreg:$0x16];
	[sflag:s8] =	ssyncadd.s32 $0xFFFFC000  }
0x165: {  	[hbm4b:s0+s2] =	stream.linear.scatter [tilespmem:s5], [sflag:$0x4], $0x4000, $0x38;
	[tilespmem:$0x8C00] =	vst v63  }
.Ltmp2:
0x166: {  	_ =	swait.ge [sflag:s3], $0x4000;
	(pc) =	sbr.rel @p1 .LBB2_2-.Ltmp2, $4  }
0x167: {  	[sflag:s3] =	ssyncset.done $0x0  }
0x168: {  	[sflag:s3] =	ssyncadd.s32 $0xFFFFC000  }
0x169: {  	_ =	swait.ge [sflag:s4], $0x4000  }
0x16a: {  	s1 =	sadd.s32 $0xFFFFFFFF, s1;
	s0 =	rddreg [dreg:$0x3];
	[sflag:s4] =	ssyncset.done $0x0  }
.LBB2_3:
0x16b: {  	[sflag:s4] =	ssyncadd.s32 @p0 $0xFFFFC000  }
0x16c: {  	[tilespmem:s2], [sflag:$0x5] =	stream.linear.gather [hbm4b:s0+s2], $0xA00, $0x38;
	[tilespmem:$0x8C00] =	vst v63  }
0x16d: {  	_ =	swait.ge [sflag:s31], $0xA00  }
0x16e: {  	[sflag:s31] =	ssyncset.done $0x0  }
0x16f: {  	[sflag:s31] =	ssyncadd.s32 $0xFFFFF600  }
0x170: {  	[tilespmem:s7], [sflag:$0x1] =	stream.indirect.gather [hbm4b:s6+s10], $0x80, s2, s10, $0xb8;
	[tilespmem:$0x8C00] =	vst v63  }
0x171: {  	_ = 	snop  }
0x172: {  	[tilespmem:s5], [sflag:$0x2] =	stream.indirect.gather [hbm4b:s6+s10], $0x80, s10, s10, $0xb8;
	[tilespmem:$0x8C00] =	vst v63  }
0x173: {  	_ =	swait.ge [sflag:s9], $0x4000  }
0x174: {  	[sflag:s9] =	ssyncset.done $0x0  }
0x175: {  	[sflag:s9] =	ssyncadd.s32 $0xFFFFC000  }
0x176: {  	[hbm4b:s22+s2] =	stream.linear.scatter [tilespmem:s7], [sflag:$0x3], $0x4000, $0x38;
	[tilespmem:$0x8C00] =	vst v63  }
0x177: {  	_ =	swait.ge [sflag:s3], $0x4000  }
0x178: {  	[sflag:s3] =	ssyncset.done $0x0  }
0x179: {  	[sflag:s3] =	ssyncadd.s32 $0xFFFFC000  }
0x17a: {  	[tilespmem:s7], [sflag:$0x1] =	stream.indirect.gather [hbm4b:s6+s10], $0x80, s30, s10, $0xb8;
	[tilespmem:$0x8C00] =	vst v63  }
0x17b: {  	_ =	swait.ge [sflag:s8], $0x4000  }
0x17c: {  	[sflag:s8] =	ssyncset.done $0x0  }
0x17d: {  	s31 =	rddreg [dreg:$0x4];
	[sflag:s8] =	ssyncadd.s32 $0xFFFFC000  }
0x17e: {  	[hbm4b:s31+s2] =	stream.linear.scatter [tilespmem:s5], [sflag:$0x4], $0x4000, $0x38;
	[tilespmem:$0x8C00] =	vst v63  }
0x17f: {  	_ =	swait.ge [sflag:s4], $0x4000  }
0x180: {  	[sflag:s4] =	ssyncset.done $0x0  }
0x181: {  	[sflag:s4] =	ssyncadd.s32 $0xFFFFC000  }
0x182: {  	[tilespmem:s5], [sflag:$0x2] =	stream.indirect.gather [hbm4b:s6+s10], $0x80, s29, s10, $0xb8;
	[tilespmem:$0x8C00] =	vst v63  }
0x183: {  	_ =	swait.ge [sflag:s9], $0x4000  }
0x184: {  	[sflag:s9] =	ssyncset.done $0x0  }
0x185: {  	s1 =	rddreg [dreg:$0x5];
	[sflag:s9] =	ssyncadd.s32 $0xFFFFC000  }
0x186: {  	[hbm4b:s1+s2] =	stream.linear.scatter [tilespmem:s7], [sflag:$0x3], $0x4000, $0x38;
	[tilespmem:$0x8C00] =	vst v63  }
0x187: {  	_ =	swait.ge [sflag:s3], $0x4000  }
0x188: {  	[sflag:s3] =	ssyncset.done $0x0  }
0x189: {  	[sflag:s3] =	ssyncadd.s32 $0xFFFFC000  }
0x18a: {  	[tilespmem:s7], [sflag:$0x1] =	stream.indirect.gather [hbm4b:s6+s10], $0x80, s28, s10, $0xb8;
	[tilespmem:$0x8C00] =	vst v63  }
0x18b: {  	_ =	swait.ge [sflag:s8], $0x4000  }
0x18c: {  	[sflag:s8] =	ssyncset.done $0x0  }
0x18d: {  	s22 =	rddreg [dreg:$0x6];
	[sflag:s8] =	ssyncadd.s32 $0xFFFFC000  }
0x18e: {  	[hbm4b:s22+s2] =	stream.linear.scatter [tilespmem:s5], [sflag:$0x4], $0x4000, $0x38;
	[tilespmem:$0x8C00] =	vst v63  }
0x18f: {  	_ =	swait.ge [sflag:s4], $0x4000  }
0x190: {  	[sflag:s4] =	ssyncset.done $0x0  }
0x191: {  	[sflag:s4] =	ssyncadd.s32 $0xFFFFC000  }
0x192: {  	[tilespmem:s5], [sflag:$0x2] =	stream.indirect.gather [hbm4b:s6+s10], $0x80, s26, s10, $0xb8;
	[tilespmem:$0x8C00] =	vst v63  }
0x193: {  	_ =	swait.ge [sflag:s9], $0x4000  }
0x194: {  	[sflag:s9] =	ssyncset.done $0x0  }
0x195: {  	s26 =	rddreg [dreg:$0x7];
	[sflag:s9] =	ssyncadd.s32 $0xFFFFC000  }
0x196: {  	[hbm4b:s26+s2] =	stream.linear.scatter [tilespmem:s7], [sflag:$0x3], $0x4000, $0x38;
	[tilespmem:$0x8C00] =	vst v63  }
0x197: {  	_ =	swait.ge [sflag:s3], $0x4000  }
0x198: {  	[sflag:s3] =	ssyncset.done $0x0  }
0x199: {  	[sflag:s3] =	ssyncadd.s32 $0xFFFFC000  }
0x19a: {  	[tilespmem:s7], [sflag:$0x1] =	stream.indirect.gather [hbm4b:s6+s10], $0x80, s25, s10, $0xb8;
	[tilespmem:$0x8C00] =	vst v63  }
0x19b: {  	_ =	swait.ge [sflag:s8], $0x4000  }
0x19c: {  	[sflag:s8] =	ssyncset.done $0x0  }
0x19d: {  	s28 =	rddreg [dreg:$0x8];
	[sflag:s8] =	ssyncadd.s32 $0xFFFFC000  }
0x19e: {  	[hbm4b:s28+s2] =	stream.linear.scatter [tilespmem:s5], [sflag:$0x4], $0x4000, $0x38;
	[tilespmem:$0x8C00] =	vst v63  }
0x19f: {  	_ =	swait.ge [sflag:s4], $0x4000  }
0x1a0: {  	[sflag:s4] =	ssyncset.done $0x0  }
0x1a1: {  	[sflag:s4] =	ssyncadd.s32 $0xFFFFC000  }
0x1a2: {  	[tilespmem:s5], [sflag:$0x2] =	stream.indirect.gather [hbm4b:s6+s10], $0x80, s24, s10, $0xb8;
	[tilespmem:$0x8C00] =	vst v63  }
0x1a3: {  	_ =	swait.ge [sflag:s9], $0x4000  }
0x1a4: {  	[sflag:s9] =	ssyncset.done $0x0  }
0x1a5: {  	s29 =	rddreg [dreg:$0x9];
	[sflag:s9] =	ssyncadd.s32 $0xFFFFC000  }
0x1a6: {  	[hbm4b:s29+s2] =	stream.linear.scatter [tilespmem:s7], [sflag:$0x3], $0x4000, $0x38;
	[tilespmem:$0x8C00] =	vst v63  }
0x1a7: {  	_ =	swait.ge [sflag:s3], $0x4000  }
0x1a8: {  	[sflag:s3] =	ssyncset.done $0x0  }
0x1a9: {  	[sflag:s3] =	ssyncadd.s32 $0xFFFFC000  }
0x1aa: {  	[tilespmem:s7], [sflag:$0x1] =	stream.indirect.gather [hbm4b:s6+s10], $0x80, s23, s10, $0xb8;
	[tilespmem:$0x8C00] =	vst v63  }
0x1ab: {  	_ =	swait.ge [sflag:s8], $0x4000  }
0x1ac: {  	[sflag:s8] =	ssyncset.done $0x0  }
0x1ad: {  	s30 =	rddreg [dreg:$0xa];
	[sflag:s8] =	ssyncadd.s32 $0xFFFFC000  }
0x1ae: {  	[hbm4b:s30+s2] =	stream.linear.scatter [tilespmem:s5], [sflag:$0x4], $0x4000, $0x38;
	[tilespmem:$0x8C00] =	vst v63  }
0x1af: {  	_ =	swait.ge [sflag:s4], $0x4000  }
0x1b0: {  	[sflag:s4] =	ssyncset.done $0x0  }
0x1b1: {  	[sflag:s4] =	ssyncadd.s32 $0xFFFFC000  }
0x1b2: {  	[tilespmem:s5], [sflag:$0x2] =	stream.indirect.gather [hbm4b:s6+s10], $0x80, s21, s10, $0xb8;
	[tilespmem:$0x8C00] =	vst v63  }
0x1b3: {  	_ =	swait.ge [sflag:s9], $0x4000  }
0x1b4: {  	[sflag:s9] =	ssyncset.done $0x0  }
0x1b5: {  	s31 =	rddreg [dreg:$0xb];
	[sflag:s9] =	ssyncadd.s32 $0xFFFFC000  }
0x1b6: {  	[hbm4b:s31+s2] =	stream.linear.scatter [tilespmem:s7], [sflag:$0x3], $0x4000, $0x38;
	[tilespmem:$0x8C00] =	vst v63  }
0x1b7: {  	_ =	swait.ge [sflag:s3], $0x4000  }
0x1b8: {  	[sflag:s3] =	ssyncset.done $0x0  }
0x1b9: {  	[sflag:s3] =	ssyncadd.s32 $0xFFFFC000  }
0x1ba: {  	[tilespmem:s7], [sflag:$0x1] =	stream.indirect.gather [hbm4b:s6+s10], $0x80, s20, s10, $0xb8;
	[tilespmem:$0x8C00] =	vst v63  }
0x1bb: {  	_ =	swait.ge [sflag:s8], $0x4000  }
0x1bc: {  	[sflag:s8] =	ssyncset.done $0x0  }
0x1bd: {  	s1 =	rddreg [dreg:$0xc];
	[sflag:s8] =	ssyncadd.s32 $0xFFFFC000  }
0x1be: {  	[hbm4b:s1+s2] =	stream.linear.scatter [tilespmem:s5], [sflag:$0x4], $0x4000, $0x38;
	[tilespmem:$0x8C00] =	vst v63  }
0x1bf: {  	_ =	swait.ge [sflag:s4], $0x4000  }
0x1c0: {  	[sflag:s4] =	ssyncset.done $0x0  }
0x1c1: {  	[sflag:s4] =	ssyncadd.s32 $0xFFFFC000  }
0x1c2: {  	[tilespmem:s5], [sflag:$0x2] =	stream.indirect.gather [hbm4b:s6+s10], $0x80, s19, s10, $0xb8;
	[tilespmem:$0x8C00] =	vst v63  }
0x1c3: {  	_ =	swait.ge [sflag:s9], $0x4000  }
0x1c4: {  	[sflag:s9] =	ssyncset.done $0x0  }
0x1c5: {  	s20 =	rddreg [dreg:$0xd];
	[sflag:s9] =	ssyncadd.s32 $0xFFFFC000  }
0x1c6: {  	[hbm4b:s20+s2] =	stream.linear.scatter [tilespmem:s7], [sflag:$0x3], $0x4000, $0x38;
	[tilespmem:$0x8C00] =	vst v63  }
0x1c7: {  	_ =	swait.ge [sflag:s3], $0x4000  }
0x1c8: {  	[sflag:s3] =	ssyncset.done $0x0  }
0x1c9: {  	[sflag:s3] =	ssyncadd.s32 $0xFFFFC000  }
0x1ca: {  	[tilespmem:s7], [sflag:$0x1] =	stream.indirect.gather [hbm4b:s6+s10], $0x80, s18, s10, $0xb8;
	[tilespmem:$0x8C00] =	vst v63  }
0x1cb: {  	_ =	swait.ge [sflag:s8], $0x4000  }
0x1cc: {  	[sflag:s8] =	ssyncset.done $0x0  }
0x1cd: {  	s21 =	rddreg [dreg:$0xe];
	[sflag:s8] =	ssyncadd.s32 $0xFFFFC000  }
0x1ce: {  	[hbm4b:s21+s2] =	stream.linear.scatter [tilespmem:s5], [sflag:$0x4], $0x4000, $0x38;
	[tilespmem:$0x8C00] =	vst v63  }
0x1cf: {  	_ =	swait.ge [sflag:s4], $0x4000  }
0x1d0: {  	[sflag:s4] =	ssyncset.done $0x0  }
0x1d1: {  	[sflag:s4] =	ssyncadd.s32 $0xFFFFC000  }
0x1d2: {  	[tilespmem:s5], [sflag:$0x2] =	stream.indirect.gather [hbm4b:s6+s10], $0x80, s17, s10, $0xb8;
	[tilespmem:$0x8C00] =	vst v63  }
0x1d3: {  	_ =	swait.ge [sflag:s9], $0x4000  }
0x1d4: {  	[sflag:s9] =	ssyncset.done $0x0  }
0x1d5: {  	s22 =	rddreg [dreg:$0xf];
	[sflag:s9] =	ssyncadd.s32 $0xFFFFC000  }
0x1d6: {  	[hbm4b:s22+s2] =	stream.linear.scatter [tilespmem:s7], [sflag:$0x3], $0x4000, $0x38;
	[tilespmem:$0x8C00] =	vst v63  }
0x1d7: {  	_ =	swait.ge [sflag:s3], $0x4000  }
0x1d8: {  	[sflag:s3] =	ssyncset.done $0x0  }
0x1d9: {  	[sflag:s3] =	ssyncadd.s32 $0xFFFFC000  }
0x1da: {  	[tilespmem:s7], [sflag:$0x1] =	stream.indirect.gather [hbm4b:s6+s10], $0x80, s16, s10, $0xb8;
	[tilespmem:$0x8C00] =	vst v63  }
0x1db: {  	_ =	swait.ge [sflag:s8], $0x4000  }
0x1dc: {  	[sflag:s8] =	ssyncset.done $0x0  }
0x1dd: {  	s23 =	rddreg [dreg:$0x10];
	[sflag:s8] =	ssyncadd.s32 $0xFFFFC000  }
0x1de: {  	[hbm4b:s23+s2] =	stream.linear.scatter [tilespmem:s5], [sflag:$0x4], $0x4000, $0x38;
	[tilespmem:$0x8C00] =	vst v63  }
0x1df: {  	_ =	swait.ge [sflag:s4], $0x4000  }
0x1e0: {  	[sflag:s4] =	ssyncset.done $0x0  }
0x1e1: {  	[sflag:s4] =	ssyncadd.s32 $0xFFFFC000  }
0x1e2: {  	[tilespmem:s5], [sflag:$0x2] =	stream.indirect.gather [hbm4b:s6+s10], $0x80, s15, s10, $0xb8;
	[tilespmem:$0x8C00] =	vst v63  }
0x1e3: {  	_ =	swait.ge [sflag:s9], $0x4000  }
0x1e4: {  	[sflag:s9] =	ssyncset.done $0x0  }
0x1e5: {  	s24 =	rddreg [dreg:$0x11];
	[sflag:s9] =	ssyncadd.s32 $0xFFFFC000  }
0x1e6: {  	[hbm4b:s24+s2] =	stream.linear.scatter [tilespmem:s7], [sflag:$0x3], $0x4000, $0x38;
	[tilespmem:$0x8C00] =	vst v63  }
0x1e7: {  	_ =	swait.ge [sflag:s3], $0x4000  }
0x1e8: {  	[sflag:s3] =	ssyncset.done $0x0  }
0x1e9: {  	[sflag:s3] =	ssyncadd.s32 $0xFFFFC000  }
0x1ea: {  	[tilespmem:s7], [sflag:$0x1] =	stream.indirect.gather [hbm4b:s6+s10], $0x80, s14, s10, $0xb8;
	[tilespmem:$0x8C00] =	vst v63  }
0x1eb: {  	_ =	swait.ge [sflag:s8], $0x4000  }
0x1ec: {  	[sflag:s8] =	ssyncset.done $0x0  }
0x1ed: {  	s25 =	rddreg [dreg:$0x12];
	[sflag:s8] =	ssyncadd.s32 $0xFFFFC000  }
0x1ee: {  	[hbm4b:s25+s2] =	stream.linear.scatter [tilespmem:s5], [sflag:$0x4], $0x4000, $0x38;
	[tilespmem:$0x8C00] =	vst v63  }
0x1ef: {  	_ =	swait.ge [sflag:s4], $0x4000  }
0x1f0: {  	[sflag:s4] =	ssyncset.done $0x0  }
0x1f1: {  	[sflag:s4] =	ssyncadd.s32 $0xFFFFC000  }
0x1f2: {  	[tilespmem:s5], [sflag:$0x2] =	stream.indirect.gather [hbm4b:s6+s10], $0x80, s13, s10, $0xb8;
	[tilespmem:$0x8C00] =	vst v63  }
0x1f3: {  	_ =	swait.ge [sflag:s9], $0x4000  }
0x1f4: {  	[sflag:s9] =	ssyncset.done $0x0  }
0x1f5: {  	s26 =	rddreg [dreg:$0x13];
	[sflag:s9] =	ssyncadd.s32 $0xFFFFC000  }
0x1f6: {  	[hbm4b:s26+s2] =	stream.linear.scatter [tilespmem:s7], [sflag:$0x3], $0x4000, $0x38;
	[tilespmem:$0x8C00] =	vst v63  }
0x1f7: {  	_ =	swait.ge [sflag:s3], $0x4000  }
0x1f8: {  	[sflag:s3] =	ssyncset.done $0x0  }
0x1f9: {  	[sflag:s3] =	ssyncadd.s32 $0xFFFFC000  }
0x1fa: {  	[tilespmem:s7], [sflag:$0x1] =	stream.indirect.gather [hbm4b:s6+s10], $0x80, s12, s10, $0xb8;
	[tilespmem:$0x8C00] =	vst v63  }
0x1fb: {  	_ =	swait.ge [sflag:s8], $0x4000  }
0x1fc: {  	[sflag:s8] =	ssyncset.done $0x0  }
0x1fd: {  	s28 =	rddreg [dreg:$0x14];
	[sflag:s8] =	ssyncadd.s32 $0xFFFFC000  }
0x1fe: {  	[hbm4b:s28+s2] =	stream.linear.scatter [tilespmem:s5], [sflag:$0x4], $0x4000, $0x38;
	[tilespmem:$0x8C00] =	vst v63  }
0x1ff: {  	_ =	swait.ge [sflag:s4], $0x4000  }
0x200: {  	[sflag:s4] =	ssyncset.done $0x0  }
0x201: {  	[sflag:s4] =	ssyncadd.s32 $0xFFFFC000  }
0x202: {  	[tilespmem:s5], [sflag:$0x2] =	stream.indirect.gather [hbm4b:s6+s10], $0x80, s11, s10, $0xb8;
	[tilespmem:$0x8C00] =	vst v63  }
0x203: {  	_ =	swait.ge [sflag:s9], $0x4000  }
0x204: {  	[sflag:s9] =	ssyncset.done $0x0  }
0x205: {  	s29 =	rddreg [dreg:$0x15];
	[sflag:s9] =	ssyncadd.s32 $0xFFFFC000  }
0x206: {  	[hbm4b:s29+s2] =	stream.linear.scatter [tilespmem:s7], [sflag:$0x3], $0x4000, $0x38;
	[tilespmem:$0x8C00] =	vst v63  }
0x207: {  	_ =	swait.ge [sflag:s8], $0x4000  }
0x208: {  	[sflag:s8] =	ssyncset.done $0x0  }
0x209: {  	s30 =	rddreg [dreg:$0x16];
	[sflag:s8] =	ssyncadd.s32 $0xFFFFC000  }
0x20a: {  	[hbm4b:s30+s2] =	stream.linear.scatter [tilespmem:s5], [sflag:$0x4], $0x4000, $0x38;
	[tilespmem:$0x8C00] =	vst v63  }
0x20b: {  	_ =	swait.ge [sflag:s3], $0x4000  }
0x20c: {  	[sflag:s3] =	ssyncset.done $0x0  }
0x20d: {  	[sflag:s3] =	ssyncadd.s32 $0xFFFFC000  }
0x20e: {  	_ =	swait.ge [sflag:s4], $0x4000  }
0x20f: {  	[sflag:s4] =	ssyncset.done $0x0  }
0x210: {  	[sflag:s4] =	ssyncadd.s32 $0xFFFFC000  }
0x211: {  	_ =	sfence.sel $0x180000  }
0x212: {  	[bflag:$0x0] =	sbarrier.arrive $0xFFFF  }
0x213: {  	_ =	strace $0x90000047  }
0x214: {  	s31 =	stileid.u32;
	[bflag:$0x2] =	sbarrier.arrive $0xFFFF  }
0x215: {  	p0 =	sne.s32 s31, $0x0;
	s0 =	rddreg [dreg:$0x2]  }
0x216: {  	s0 =	sadd.s32 @!p0 $0x100000, s0  }
0x217: {  	[sflag:s0] =	ssyncadd.tile.s32 @!p0 $0x1;
	_ =	shalt  }
.Lfunc_end2:
_tile_overlayer_lowered:
.L_overlay_start_2:
0x218: {  	(tag) =	ssettag $0x2  }
0x219: {  	s0 =	rddreg [dreg:$0x0];
	s2 =	stileid.u32  }
0x21a: {  	s1 =	rddreg [dreg:$0x1];
	p0 =	sne.s32 s2, $0x0  }
0x21b: {  	s3 =	rddreg [dreg:$0x2];
	[bflag:$0x3] =	sbarrier.arrive $0xFFFF;
	s2 =	simm.s32 @!p0 $0x1C05  }
0x21c: {  	[timem:s3], [sflag:s2] =	dma.local @!p0 [hbm:s0], s1  }
0x21d: {  	s0 =	simm.s32 @!p0 $0x5  }
0x21e: {  	_ =	swait.ge @!p0 [sflag:s0], s1  }
0x21f: {  	s1 =	ssub.s32 @!p0 $0x0, s1;
	[sflag:s0] =	ssyncset.done @!p0 $0x0  }
0x220: {  	[sflag:s0] =	ssyncadd.s32 @!p0 s1  }
0x221: {  	[bflag:$0x3] =	sbarrier.arrive $0xFFFF  }
0x222: {  	_ =	shalt  }

// kernel: sparse-core-data-format-call.cloned.1.call-start
scs
called_computation_lowered:
.L_overlay_start_0:
0x0: {  	s2 =	sld [smem:$0x3FD9]  }
0x1: {  	s3 =	sld [smem:$0x3FFE];
	_ =	sdelay $0x1  }
0x2: {  	s1 =	srdreg.scid  }
0x3: {  	s0 =	sand.u32 $0x1, s1  }
0x4: {  	s18 =	sshll.u32 s0, $0xA;
	s2 =	sadd.s32 s3, s2  }
0x5: {  	s2 =	sadd.s32 s2, s18  }
0x6: {  	[smem:$0x3FC2] =	sst s2  }
0x7: {  	_ = 	snop  }
0x8: {  	s2 =	sld [smem:$0x3FD0];
	(tm) =	ssettm $0x1  }
0x9: {  	s19 =	sld [smem:$0x3FFB];
	_ =	sdelay $0x3  }
0xa: {  	_ =	strace s19  }
0xb: {  	s3 =	sld [smem:$0x3FFC];
	_ =	sdelay $0x3  }
0xc: {  	_ =	strace s3  }
0xd: {  	s3 =	sld [smem:$0x3FFD];
	_ =	sdelay $0x3  }
0xe: {  	_ =	strace s3  }
0xf: {  	_ =	strace $0x8FFFFFFF  }
0x10: {  	s20 =	sld [smem:$0x3FDB];
	_ =	sdelay $0x1  }
0x11: {  	s4 =	simm.s32 $_scs_section_size  }
0x12: {  	s5 =	simm.s32 $_size__tile_overlayer_lowered;
	s6 =	simm.s32 $_tile_overlayer_lowered  }
0x13: {  	s23 =	simm.s32 $0x1BFF;
	s22 =	sshll.u32 s6, $0x1;
	s3 =	sadd.s32 s4, s20  }
0x14: {  	s7 =	simm.s32 $0x0;
	s21 =	sshll.u32 s5, $0x1;
	s5 =	sadd.s32 s22, s3  }
0x15: {  	[timem:s7], [sflag:s23] =	dma.local [hbm:s5], s21  }
0x16: {  	_ =	swait.ge [sflag:s23], s21  }
0x17: {  	s4 =	ssub.s32 $0x0, s21;
	[sflag:s23] =	ssyncset.done $0x0  }
0x18: {  	[sflag:s23] =	ssyncadd.s32 s4;
	_ =	sdelay $0x1  }
0x19: {  	s24 =	simm.s32 $0x1B8B  }
0x1a: {  	_ =	swait.ge [sflag:s24], $0x1  }
0x1b: {  	[sflag:s24] =	ssyncset.done $0x0  }
0x1c: {  	s26 =	simm.s32 $0x1B8E;
	s25 =	sld [smem:$0x3FFE];
	[sflag:s24] =	ssyncadd.s32 $0xFFFFFFFF  }
0x1d: {  	s27 =	simm.s32 $execute0_lowered;
	[smem:$0x3FD2] =	sst s26  }
0x1e: {  	s5 =	sshll.u32 s27, $0x1;
	_ =	strace $0x80000049;
	[dreg:$0x1] =	wrdreg $0xFFFFFFFF  }
0x1f: {  	s28 =	simm.s32 $_size_execute0_lowered;
	s3 =	sadd.s32 s3, s5;
	[dreg:$0x0] =	wrdreg $0x0  }
0x20: {  	s5 =	sshll.u32 s28, $0x1;
	[dreg:$0x2] =	wrdreg s3  }
0x21: {  	[dreg:$0x3] =	wrdreg s5  }
0x22: {  	[dreg:$0x4] =	wrdreg $0xC0  }
0x23: {  	_ =	task [dreg:s7], $0x5FFFF  }
0x24: {  	[dreg:$0x1] =	wrdreg $0xFFFFFFFF  }
0x25: {  	[dreg:$0x0] =	wrdreg $0x60  }
0x26: {  	[dreg:$0x2] =	wrdreg s25  }
0x27: {  	[dreg:$0x3] =	wrdreg s2  }
0x28: {  	[dreg:$0x4] =	wrdreg $0x9  }
0x29: {  	_ =	task.clear_ibuf [dreg:s7], $0x5FFFF;
	_ =	strace $0x90000049  }
0x2a: {  	s29 =	simm.s32 $0x9;
	_ =	strace $0x8000004B  }
0x2b: {  	_ =	swait.ge [sflag:s29], $0x1  }
0x2c: {  	[sflag:s29] =	ssyncadd.s32 $0xFFFFFFFF  }
0x2d: {  	_ =	strace $0x9000004B  }
0x2e: {  	_ =	sfence  }
0x2f: {  	s30 =	sld [smem:$0x0];
	_ =	sdelay $0x2  }
0x30: {  	s31 =	sshll.u32 s1, $0xD;
	s1 =	sshrl.u32 s1, $0x2  }
0x31: {  	s3 =	sand.u32 $0x4000, s31;
	s1 =	sadd.s32 s1, s30  }
0x32: {  	s0 =	sor.u32 s3, s0;
	s1 =	sshll.u32 s1, $0x11  }
0x33: {  	s0 =	sor.u32 s1, s0  }
0x34: {  	s0 =	sadd.s32 $0x8F2B, s0  }
0x35: {  	[sflag:s0] =	ssyncadd.remote.s32 $0x1  }
0x36: {  	_ =	sfence.sel $0xFFFF  }
0x37: {  	[dreg:$0x0] =	wrdreg $0xFFFFFFFF;
	(pc) =	sbr.abs _section_cstart, $3  }
0x38: {  	[dreg:$0x1] =	wrdreg $0xFFFFFFFF  }
0x39: {  	_ =	task.clear_ibuf [dreg:s7], $0x2FFFF;
	_ =	strace $0x9FFFFFFF  }
0x3a: {  	(tm) =	ssettm $0x7FFFFFFF  }
0x3b: {  	_ =	shalt  }
tec
execute0_lowered:
.L_overlay_start_1:
0x0: {  	(tag) =	ssettag $0x1  }
0x1: {  	s0 =	srdreg.scid  }
0x2: {  	s1 =	sshll.u32 s0, $0x4  }
0x3: {  	s0 =	stileid.u32;
	s1 =	sand.u32 $0x10, s1  }
0x4: {  	s6 =	rddreg [dreg:$0x0];
	s1 =	sor.u32 s0, s1  }
0x5: {  	s4 =	simm.s32 $0x1;
	s7 =	simm.s32 $0x2;
	s2 =	sshll.u32 s1, $0x5  }
0x6: {  	s14 =	simm.s32 $0x0;
	s8 =	simm.s32 $0x1000;
	s1 =	ssub.s32 $0x1000, s2  }
0x7: {  	s9 =	simm.s32 $0x80000;
	s10 =	simm.s32 $0x0;
	s3 =	sand.u32 $0x3E0, s1  }
0x8: {  	s15 =	simm.s32 $0x0;
	s5 =	sshrl.u32 s1, $0xA;
	p0 =	sne.s32 s3, $0x0  }
.Ltmp0:
0x9: {  	s1 =	rddreg [dreg:$0x2];
	s4 =	simm.s32 @!p0 $0x0;
	(pc) =	sbr.rel .LBB1_1-.Ltmp0, $4  }
0xa: {  	s11 =	simm.s32 $0x0;
	s3 =	rddreg [dreg:$0x1];
	s5 =	sadd.s32 s4, s5  }
0xb: {  	_ =	strace $0x8000004A;
	s4 =	simm.s32 $0x1;
	s5 =	smul.u32 $0x5, s5  }
0xc: {  	s13 =	simm.s32 $0x0;
	s6 =	sadd.s32 $0xE00, s6;
	[sflag:s4] =	ssyncpa.u1 $0x0  }
0xd: {  	s12 =	smov.u32 s2;
	[sflag:s7] =	ssyncpa.u1 $0x0;
	s7 =	sadd.s32 $0x1, s5  }
.LBB1_7:
0xe: {  	s16 =	sadd.s32 $0x4, s11  }
0xf: {  	s14 =	sadd.s32 $0x400, s12;
	s18 =	smov.u32 s12;
	p1 =	sgt.s32 s16, $0x13  }
0x10: {  	s18 =	smov.u32 @p1 s14  }
0x11: {  	s16 =	simm.s32 @p1 $0x0;
	p1 =	sgt.s32 s18, $0xFFF  }
0x12: {  	s18 =	smov.u32 @p1 s2;
	p1 =	sne.s32 s13, s7  }
.Ltmp1:
0x13: {  	p0 =	slt.u32 s13, $0x2;
	(pc) =	sbr.rel @!p1 .LBB1_8-.Ltmp1, $4  }
0x14: {  	s17 =	simm.s32 @!p0 $0x2  }
0x15: {  	s15 =	smov.u32 s12;
	s10 =	sadd.s32 $0x4000, s10;
	_ =	swait.ge @!p0 [sflag:s17], $0x4000  }
0x16: {  	s14 =	smov.u32 s11;
	[sflag:s17] =	ssyncset.done @!p0 $0x0;
	s11 =	smov.u32 s16  }
0x17: {  	s13 =	sadd.s32 $0x1, s13;
	[sflag:s17] =	ssyncadd.s32 @!p0 $0xFFFFC000;
	s12 =	smov.u32 s18  }
.LBB1_1:
0x18: {  	p0 =	sge.u32 s13, s5  }
0x19: {  	s16 =	sand.u32 @!p0 $0x1FFFFFF, s11  }
0x1a: {  	s17 =	smulhi.u32 @!p0 $0xAAAAAAB, s16;
	_ =	sdelay $0x1  }
0x1b: {  	s17 =	smul.u32 @!p0 $0x18, s17  }
0x1c: {  	s18 =	sxor.u32 @!p0 $0xFFFFFFFF, s13;
	s19 =	smul.u32 @!p0 $0x180, s12  }
0x1d: {  	s31 =	sadd.s32 $0xFFFFFFFF, s13;
	s18 =	sshll.u32 @!p0 s18, $0xE;
	s16 =	ssub.s32 @!p0 s16, s17  }
0x1e: {  	s17 =	sand.u32 @!p0 $0x4000, s18;
	s18 =	sadd.s32 @!p0 s6, s19;
	s16 =	sshll.u32 @!p0 s16, $0x4  }
0x1f: {  	s19 =	simm.s32 @!p0 $0xC00;
	s16 =	sadd.s32 @!p0 s16, s18;
	s18 =	simm.s32 @!p0 $0x200  }
0x20: {  	[tilespmem:s17], [sflag:$0x1] =	stream.strided.gather @!p0 [hbm4b:s16+s18], $0x4000, s19, s18, $0x38;
	[tilespmem:$0x10000] =	vst v63  }
0x21: {  	p0 =	sge.u32 s31, s5  }
.Ltmp2:
0x22: {  	_ = 	snop;
	(pc) =	sbr.rel @p0 .LBB1_7-.Ltmp2, $1  }
0x23: {  	_ =	sdelay $0x3  }
0x24: {  	s17 =	sand.u32 $0x4000, s10  }
0x25: {  	_ =	swait.ge [sflag:s4], $0x4000;
	s19 =	sshll.u32 s13, $0xE;
	s16 =	sor.u32 $0x8040, s17  }
0x26: {  	s18 =	sor.u32 $0x40, s17;
	[sflag:s4] =	ssyncset.done $0x0;
	s31 =	sand.u32 $0x4000, s19  }
0x27: {  	s19 =	simm.s32 $0x0;
	[sflag:s4] =	ssyncadd.s32 $0xFFFFC000;
	s17 =	sor.u32 $0x8000, s31  }
.LBB1_3:
0x28: {  	v0 =	vmov s18;
	_ =	sdelay $0x3  }
0x29: {  	s21 =	simm.s32 $0x0  }
0x2a: {  	v6 =	vld.idx.msk [tilespmem:v0+s21+$0x30 ss:$0x1], $0xffff  }
0x2b: {  	v7 =	vld.idx.msk [tilespmem:v0+s21+$0xFFFFFFC0 ss:$0x1], $0xffff  }
0x2c: {  	v5 =	vld.idx.msk [tilespmem:v0+s21+$0xFFFFFFD0 ss:$0x1], $0xffff  }
0x2d: {  	v4 =	vld.idx.msk [tilespmem:v0+s21+$0xFFFFFFE0 ss:$0x1], $0xffff  }
0x2e: {  	v3 =	vld.idx.msk [tilespmem:v0+s21+$0xFFFFFFF0 ss:$0x1], $0xffff  }
0x2f: {  	v1 =	vld.idx.msk [tilespmem:v0+s21+$0x0 ss:$0x1], $0xffff  }
0x30: {  	v2 =	vld.idx.msk [tilespmem:v0+s21+$0x10 ss:$0x1], $0xffff;
	[tilespmem:s16+$0x30] =	vst v6  }
0x31: {  	s20 =	simm.s32 $0x80;
	s22 =	simm.s32 $0x400;
	[tilespmem:s16+$0xFFFFFFC0] =	vst v7;
	v6 =	vld.idx.msk [tilespmem:v0+s21+$0x20 ss:$0x1], $0xffff;
	s21 =	smov.u32 s16  }
.LBB1_4:
0x32: {  	p0 =	sne.s32 s22, $0x600;
	v7 =	vld.idx.msk [tilespmem:v0+s20+$0x30 ss:$0x1], $0xffff;
	[tilespmem:s21+$0xFFFFFFD0] =	vst v5  }
0x33: {  	v8 =	vld.idx.msk [tilespmem:v0+s20+$0xFFFFFFC0 ss:$0x1], $0xffff;
	[tilespmem:s21+$0xFFFFFFE0] =	vst v4  }
0x34: {  	v5 =	vld.idx.msk [tilespmem:v0+s20+$0xFFFFFFD0 ss:$0x1], $0xffff;
	[tilespmem:s21+$0xFFFFFFF0] =	vst v3  }
.Ltmp3:
0x35: {  	v4 =	vld.idx.msk [tilespmem:v0+s20+$0xFFFFFFE0 ss:$0x1], $0xffff;
	[tilespmem:s21+$0x0] =	vst v1;
	(pc) =	sbr.rel @p0 .LBB1_4-.Ltmp3, $4  }
0x36: {  	v3 =	vld.idx.msk [tilespmem:v0+s20+$0xFFFFFFF0 ss:$0x1], $0xffff;
	[tilespmem:s21+$0x10] =	vst v2  }
0x37: {  	v1 =	vld.idx.msk [tilespmem:v0+s20+$0x0 ss:$0x1], $0xffff;
	[tilespmem:s21+$0x20] =	vst v6;
	s21 =	sadd.s32 $0x1000, s21  }
0x38: {  	v2 =	vld.idx.msk [tilespmem:v0+s20+$0x10 ss:$0x1], $0xffff;
	[tilespmem:s21+$0x30] =	vst v7  }
0x39: {  	[tilespmem:s21+$0xFFFFFFC0] =	vst v8;
	v6 =	vld.idx.msk [tilespmem:v0+s20+$0x20 ss:$0x1], $0xffff;
	s20 =	sshra.s32 s22, $0x2;
	s22 =	sadd.s32 $0x200, s22  }
0x3a: {  	_ =	sdelay $0x2  }
0x3b: {  	[tilespmem:s21+$0xFFFFFFD0] =	vst v5  }
0x3c: {  	v56 =	vld.idx.msk [tilespmem:v0+s20+$0x30 ss:$0x1], $0xffff;
	[tilespmem:s21+$0xFFFFFFE0] =	vst v4  }
0x3d: {  	v57 =	vld.idx.msk [tilespmem:v0+s20+$0xFFFFFFC0 ss:$0x1], $0xffff;
	[tilespmem:s21+$0xFFFFFFF0] =	vst v3  }
0x3e: {  	v58 =	vld.idx.msk [tilespmem:v0+s20+$0xFFFFFFD0 ss:$0x1], $0xffff;
	[tilespmem:s21+$0x0] =	vst v1  }
0x3f: {  	v59 =	vld.idx.msk [tilespmem:v0+s20+$0xFFFFFFE0 ss:$0x1], $0xffff;
	[tilespmem:s21+$0x10] =	vst v2  }
0x40: {  	v60 =	vld.idx.msk [tilespmem:v0+s20+$0xFFFFFFF0 ss:$0x1], $0xffff;
	s31 =	sadd.s32 $0x1000, s21;
	[tilespmem:s21+$0x20] =	vst v6  }
0x41: {  	v61 =	vld.idx.msk [tilespmem:v0+s20+$0x0 ss:$0x1], $0xffff;
	[tilespmem:s31+$0x30] =	vst v56  }
0x42: {  	v62 =	vld.idx.msk [tilespmem:v0+s20+$0x10 ss:$0x1], $0xffff;
	s19 =	sadd.s32 $0x1, s19;
	[tilespmem:s31+$0xFFFFFFC0] =	vst v57  }
0x43: {  	v63 =	vld.idx.msk [tilespmem:v0+s20+$0x20 ss:$0x1], $0xffff;
	p0 =	sne.s32 s19, $0x20;
	[tilespmem:s31+$0xFFFFFFD0] =	vst v58  }
.Ltmp4:
0x44: {  	[tilespmem:s31+$0xFFFFFFE0] =	vst v59;
	(pc) =	sbr.rel @p0 .LBB1_3-.Ltmp4, $4  }
0x45: {  	[tilespmem:s31+$0xFFFFFFF0] =	vst v60  }
0x46: {  	[tilespmem:s31+$0x0] =	vst v61  }
0x47: {  	[tilespmem:s31+$0x10] =	vst v62  }
0x48: {  	s16 =	sadd.s32 $0x80, s16;
	s18 =	sadd.s32 $0x200, s18;
	[tilespmem:s31+$0x20] =	vst v63  }
.Ltmp5:
0x49: {  	s15 =	sshll.u32 s15, $0x4;
	(pc) =	sbr.rel .LBB1_7-.Ltmp5, $4  }
0x4a: {  	s15 =	sand.u32 $0xFFF0, s15  }
0x4b: {  	s14 =	sshll.u32 s14, $0x10;
	s15 =	sadd.s32 s3, s15  }
0x4c: {  	s14 =	sadd.s32 s14, s15  }
0x4d: {  	[hbm4b:s14+s8] =	stream.strided.scatter [tilespmem:s17], [sflag:$0x2], $0x4000, s9, s8, $0x38;
	[tilespmem:$0x10000] =	vst v63  }
.LBB1_8:
0x4e: {  	_ =	sfence.sel $0x180000  }
0x4f: {  	s2 =	simm.s32 $0x1;
	[bflag:$0x0] =	sbarrier.arrive $0xFFFF  }
0x50: {  	s31 =	simm.s32 $0x2;
	[sflag:s2] =	ssyncpa.u1 $0x1  }
0x51: {  	[sflag:s31] =	ssyncpa.u1 $0x1  }
0x52: {  	p0 =	sne.s32 s0, $0x0;
	_ =	strace $0x9000004A  }
0x53: {  	s0 =	sadd.s32 @!p0 $0x100000, s1;
	[bflag:$0x2] =	sbarrier.arrive $0xFFFF  }
0x54: {  	[sflag:s0] =	ssyncadd.tile.s32 @!p0 $0x1;
	_ =	shalt  }
.Lfunc_end1:
_tile_overlayer_lowered:
.L_overlay_start_2:
0x55: {  	(tag) =	ssettag $0x2  }
0x56: {  	s0 =	rddreg [dreg:$0x0];
	s2 =	stileid.u32  }
0x57: {  	s1 =	rddreg [dreg:$0x1];
	p0 =	sne.s32 s2, $0x0  }
0x58: {  	s3 =	rddreg [dreg:$0x2];
	[bflag:$0x3] =	sbarrier.arrive $0xFFFF;
	s2 =	simm.s32 @!p0 $0x1C01  }
0x59: {  	[timem:s3], [sflag:s2] =	dma.local @!p0 [hbm:s0], s1  }
0x5a: {  	s0 =	simm.s32 @!p0 $0x1  }
0x5b: {  	_ =	swait.ge @!p0 [sflag:s0], s1  }
0x5c: {  	s1 =	ssub.s32 @!p0 $0x0, s1;
	[sflag:s0] =	ssyncset.done @!p0 $0x0  }
0x5d: {  	[sflag:s0] =	ssyncadd.s32 @!p0 s1  }
0x5e: {  	[bflag:$0x3] =	sbarrier.arrive $0xFFFF  }
0x5f: {  	_ =	shalt  }

</sc_bundles>
